<compile_context>
chip_gen: v7x
topology: tpu7x:2x2x1
jax: 0.10.2.dev20260603
libtpu: 0.0.44.dev20260713+nightly
codegen_flags: <defaults>
</compile_context>

<pallas_src>
import functools

import jax
import jax.numpy as jnp
from jax import lax
from jax.experimental import pallas as pl
from jax.experimental.pallas import tpu as pltpu
from jax.experimental.pallas import tpu_sc as plsc

N = 10000
E = 320000
D = 128
NC, NS = 2, 16
NW = NC * NS
RPT = 640
N_PAD = NS * RPT
CH = 64
CPW = 160
G = 16
E_PAD = NW * CPW * CH
SS = 4
SR = CH // SS
TC_R = 1000


def _sc_agg_body(x_hbm, src_hbm, dst_hbm, znd_hbm, agg_hbm,
                 src_v, dst_v, rows_a, rows_b, acc, *sems):
    sem_a = sems[:SS]
    sem_b = sems[SS:]
    cid = lax.axis_index("c")
    sid = lax.axis_index("s")
    wid = cid * NS + sid
    r0 = sid * RPT
    pltpu.sync_copy(znd_hbm.at[pl.ds(r0, RPT)], acc.at[pl.ds(r0, RPT)])
    row0 = wid * CPW
    plsc.subcore_barrier()

    def group(gi, carry):
        pltpu.sync_copy(src_hbm.at[pl.ds(row0 + gi * G, G)], src_v)
        pltpu.sync_copy(dst_hbm.at[pl.ds(row0 + gi * G, G)], dst_v)
        def fire(j, buf, sem):
            for k in range(SS):
                pltpu.async_copy(
                    x_hbm.at[src_v.at[j, pl.ds(k * SR, SR)]],
                    buf.at[pl.ds(k * SR, SR)], sem[k])

        def drain(j, buf, sem):
            for k in range(SS):
                pltpu.make_async_copy(
                    x_hbm.at[src_v.at[j, pl.ds(k * SR, SR)]],
                    buf.at[pl.ds(k * SR, SR)], sem[k]).wait()

        fire(0, rows_a, sem_a)

        def pair(i, c2):
            j0 = 2 * i
            fire(j0 + 1, rows_b, sem_b)
            drain(j0, rows_a, sem_a)
            pltpu.sync_copy(rows_a, acc.at[dst_v.at[j0]], add=True)

            @pl.when(i + 1 < G // 2)
            def _():
                fire(j0 + 2, rows_a, sem_a)

            drain(j0 + 1, rows_b, sem_b)
            pltpu.sync_copy(rows_b, acc.at[dst_v.at[j0 + 1]], add=True)
            return c2

        lax.fori_loop(0, G // 2, pair, 0)
        return carry

    lax.fori_loop(0, CPW // G, group, 0)
    plsc.subcore_barrier()
    pltpu.sync_copy(acc.at[pl.ds(r0, RPT)], agg_hbm.at[cid, pl.ds(r0, RPT)])


def _make_sc_agg():
    mesh = plsc.VectorSubcoreMesh(core_axis_name="c", subcore_axis_name="s")
    return pl.kernel(
        _sc_agg_body,
        out_type=jax.ShapeDtypeStruct((NC, N_PAD, D), jnp.float32),
        mesh=mesh,
        scratch_types=[
            pltpu.VMEM((G, CH), jnp.int32),
            pltpu.VMEM((G, CH), jnp.int32),
            pltpu.VMEM((CH, D), jnp.float32),
            pltpu.VMEM((CH, D), jnp.float32),
            pltpu.VMEM_SHARED((N_PAD, D), jnp.float32),
        ] + [pltpu.SemaphoreType.DMA] * (2 * SS),
    )


def _sc_deg_body(dst_hbm, znd_hbm, ones_hbm, deg_hbm,
                 dst_v, rows_v, acc, sem):
    cid = lax.axis_index("c")
    sid = lax.axis_index("s")
    wid = cid * NS + sid
    r0 = sid * RPT
    pltpu.sync_copy(znd_hbm.at[pl.ds(r0, RPT)], acc.at[pl.ds(r0, RPT)])
    pltpu.sync_copy(ones_hbm, rows_v)
    row0 = wid * CPW
    plsc.subcore_barrier()

    def group(gi, carry):
        pltpu.sync_copy(dst_hbm.at[pl.ds(row0 + gi * G, G)], dst_v)

        def chunk(j, c2):
            pltpu.async_copy(rows_v, acc.at[dst_v.at[j]], sem, add=True)
            return c2

        lax.fori_loop(0, G, chunk, 0)

        def dr(j, c2):
            pltpu.make_async_copy(rows_v, acc.at[dst_v.at[j]], sem).wait()
            return c2

        lax.fori_loop(0, G, dr, 0)
        return carry

    lax.fori_loop(0, CPW // G, group, 0)
    plsc.subcore_barrier()
    pltpu.sync_copy(acc.at[pl.ds(r0, RPT)], deg_hbm.at[cid, pl.ds(r0, RPT)])


def _make_sc_deg():
    mesh = plsc.VectorSubcoreMesh(core_axis_name="c", subcore_axis_name="s")
    return pl.kernel(
        _sc_deg_body,
        out_type=jax.ShapeDtypeStruct((NC, N_PAD, D), jnp.float32),
        mesh=mesh,
        scratch_types=[
            pltpu.VMEM((G, CH), jnp.int32),
            pltpu.VMEM((CH, D), jnp.float32),
            pltpu.VMEM_SHARED((N_PAD, D), jnp.float32),
            pltpu.SemaphoreType.DMA,
        ],
    )


def _tc_body(relu, parts_ref, x_ref, degp_ref, w_ref, b_ref, o_ref):
    s = parts_ref[0] + parts_ref[1] + x_ref[...]
    d = degp_ref[0, :, 0:1] + degp_ref[1, :, 0:1]
    h = s / (d + 1.0)
    y = jnp.dot(h, w_ref[...], preferred_element_type=jnp.float32) + b_ref[...]
    o_ref[...] = jnp.maximum(y, 0.0) if relu else y


def _tc_layer(x, agg, degp, Wm, bm, relu):
    return pl.pallas_call(
        functools.partial(_tc_body, relu),
        grid=(N // TC_R,),
        in_specs=[
            pl.BlockSpec((NC, TC_R, D), lambda i: (0, i, 0)),
            pl.BlockSpec((TC_R, D), lambda i: (i, 0)),
            pl.BlockSpec((NC, TC_R, D), lambda i: (0, i, 0)),
            pl.BlockSpec((D, D), lambda i: (0, 0)),
            pl.BlockSpec((1, D), lambda i: (0, 0)),
        ],
        out_specs=pl.BlockSpec((TC_R, D), lambda i: (i, 0)),
        out_shape=jax.ShapeDtypeStruct((N, D), jnp.float32),
    )(agg, x, degp, Wm, bm)


def kernel(g, features, W1, b1, W2, b2):
    src, dst = g[0], g[1]
    pad = E_PAD - E
    src2d = jnp.concatenate(
        [src, jnp.zeros((pad,), jnp.int32)]).reshape(E_PAD // CH, CH)
    dst2d = jnp.concatenate(
        [dst, jnp.full((pad,), N, jnp.int32)]).reshape(E_PAD // CH, CH)
    zeros_nd = jnp.zeros((N_PAD, D), jnp.float32)
    ones_nd = jnp.ones((CH, D), jnp.float32)

    sc_agg = _make_sc_agg()
    sc_deg = _make_sc_deg()
    agg1 = sc_agg(features, src2d, dst2d, zeros_nd)
    degp = sc_deg(dst2d, zeros_nd, ones_nd)
    h1 = _tc_layer(features, agg1, degp, W1, b1.reshape(1, D), relu=True)
    agg2 = sc_agg(h1, src2d, dst2d, zeros_nd)
    return _tc_layer(h1, agg2, degp, W2, b2.reshape(1, D), relu=False)

# --- scband reference (transcript-rebuilt; emitter-appended) ---
"""Pipeline reference for scband-gcn-5944234737825 (READ-ONLY COPY).

The authoritative reference and input builder live on the scoring server;
editing this copy changes nothing except your own understanding.
"""

import jax, jax.numpy as jnp
import numpy as np

N = 10000
E = 320000
D = 128


def setup_inputs(seed: int = 0) -> dict:
    key = jax.random.key(seed)
    k1, k2, k3, k4 = jax.random.split(key, 4)
    g = jax.random.randint(k1, (2, E), 0, N, dtype=jnp.int32)
    features = jax.random.normal(k2, (N, D), dtype=jnp.float32)
    W1 = jax.random.normal(k3, (D, D), dtype=jnp.float32) * 0.05
    b1 = jnp.zeros((D,), dtype=jnp.float32)
    W2 = jax.random.normal(k4, (D, D), dtype=jnp.float32) * 0.05
    b2 = jnp.zeros((D,), dtype=jnp.float32)
    return {"g": g, "features": features, "W1": W1, "b1": b1, "W2": W2, "b2": b2}


def _sage_gcn_layer(x, src, dst, W, b):
    # DGL SAGEConv with aggregator_type='gcn':
    # h_neigh = (sum_{u in N_in(v)} x_u + x_v) / (in_deg(v) + 1); out = h_neigh @ W + b
    msg = jnp.take(x, src, axis=0)                     # gather (SparseCore)
    agg = jax.ops.segment_sum(msg, dst, num_segments=N)  # scatter-add
    deg = jax.ops.segment_sum(jnp.ones((src.shape[0],), dtype=x.dtype), dst, num_segments=N)
    h = (agg + x) / (deg[:, None] + 1.0)
    return h @ W + b


def reference(g, features, W1, b1, W2, b2):
    src, dst = g[0], g[1]
    # layer 0: SAGEConv(in_feats -> n_hidden), activation=relu
    h = jax.nn.relu(_sage_gcn_layer(features, src, dst, W1, b1))
    # dropout(p=0.0) is identity
    # layer 1: SAGEConv(n_hidden -> output_dim), activation=None
    h = _sage_gcn_layer(h, src, dst, W2, b2)
    return h

if __name__ == "__main__":
    import jax
    _d = setup_inputs()
    print(jax.jit(kernel)(*tuple(_d.values())))

</pallas_src>

<mosaic_0001>
#map = affine_map<(d0, d1) -> (0, 0)>
#map1 = affine_map<(d0, d1) -> (0, 0, 0)>
module attributes {stable_mosaic.version = 14 : i64} {
  func.func @_sc_agg_body(%arg0: i32, %arg1: i32, %arg2: memref<10000x128xf32, #tpu.memory_space<hbm>>, %arg3: memref<5120x64xi32, #tpu.memory_space<hbm>>, %arg4: memref<5120x64xi32, #tpu.memory_space<hbm>>, %arg5: memref<10240x128xf32, #tpu.memory_space<hbm>>, %arg6: memref<2x10240x128xf32, #tpu.memory_space<hbm>>, %arg7: memref<16x64xi32, #tpu.memory_space<vmem>>, %arg8: memref<16x64xi32, #tpu.memory_space<vmem>>, %arg9: memref<64x128xf32, #tpu.memory_space<vmem>>, %arg10: memref<64x128xf32, #tpu.memory_space<vmem>>, %arg11: memref<10240x128xf32, #tpu.memory_space<vmem_shared>>, %arg12: memref<!tpu.dma_semaphore, #tpu.memory_space<semaphore_mem>>, %arg13: memref<!tpu.dma_semaphore, #tpu.memory_space<semaphore_mem>>, %arg14: memref<!tpu.dma_semaphore, #tpu.memory_space<semaphore_mem>>, %arg15: memref<!tpu.dma_semaphore, #tpu.memory_space<semaphore_mem>>, %arg16: memref<!tpu.dma_semaphore, #tpu.memory_space<semaphore_mem>>, %arg17: memref<!tpu.dma_semaphore, #tpu.memory_space<semaphore_mem>>, %arg18: memref<!tpu.dma_semaphore, #tpu.memory_space<semaphore_mem>>, %arg19: memref<!tpu.dma_semaphore, #tpu.memory_space<semaphore_mem>>) attributes {dimension_semantics = [#tpu.dimension_semantics<core_parallel>, #tpu.dimension_semantics<subcore_parallel>], iteration_bounds = array<i64: 2, 16>, scalar_prefetch = 0 : i64, scratch_operands = 13 : i64, tpu.core_type = #tpu.core_type<sc_vector_subcore>, window_params = [{transform_indices = #map}, {transform_indices = #map}, {transform_indices = #map}, {transform_indices = #map}, {transform_indices = #map1}]} {
    %mul3A = arith.constant 16 : i32
    %mul3A_0 = arith.muli %arg0, %mul3A : i32
    %add3A = arith.addi %mul3A_0, %arg1 : i32
    %mul3A_1 = arith.constant 640 : i32
    %mul3A_2 = arith.muli %arg1, %mul3A_1 : i32
    "tpu.region"() ({
      %run_scoped3A = tpu.sem_alloc : memref<!tpu.dma_semaphore, #tpu.memory_space<semaphore_mem>>
      %dma_start3A = arith.constant 0 : i32
      %dma_start3A_11 = tpu.memref_slice %arg11[%mul3A_2, %dma_start3A] : memref<10240x128xf32, #tpu.memory_space<vmem_shared>> -> memref<640x128xf32, #tpu.memory_space<vmem_shared>>
      %dma_start3A_12 = arith.constant 0 : i32
      %dma_start3A_13 = tpu.memref_slice %arg5[%mul3A_2, %dma_start3A_12] : memref<10240x128xf32, #tpu.memory_space<hbm>> -> memref<640x128xf32, #tpu.memory_space<hbm>>
      tpu.enqueue_dma source(%dma_start3A_13 : memref<640x128xf32, #tpu.memory_space<hbm>>) target(%dma_start3A_11 : memref<640x128xf32, #tpu.memory_space<vmem_shared>>) target_semaphore(%run_scoped3A : memref<!tpu.dma_semaphore, #tpu.memory_space<semaphore_mem>>)
      %dma_wait3A = arith.constant 0 : i32
      %dma_wait3A_14 = tpu.memref_slice %arg11[%mul3A_2, %dma_wait3A] : memref<10240x128xf32, #tpu.memory_space<vmem_shared>> -> memref<640x128xf32, #tpu.memory_space<vmem_shared>>
      %dma_wait3A_15 = arith.constant 0 : i32
      %dma_wait3A_16 = tpu.memref_slice %arg5[%mul3A_2, %dma_wait3A_15] : memref<10240x128xf32, #tpu.memory_space<hbm>> -> memref<640x128xf32, #tpu.memory_space<hbm>>
      tpu.wait_dma2 semaphore(%run_scoped3A : memref<!tpu.dma_semaphore, #tpu.memory_space<semaphore_mem>>) src(%dma_wait3A_16 : memref<640x128xf32, #tpu.memory_space<hbm>>) dst(%dma_wait3A_14 : memref<640x128xf32, #tpu.memory_space<vmem_shared>>)
      tpu.yield
    }) : () -> ()
    %mul3A_3 = arith.constant 160 : i32
    %mul3A_4 = arith.muli %add3A, %mul3A_3 : i32
    %barrier3A = arith.constant 0 : index
    tpu.barrier barrier_id(%barrier3A)
    %scan3A = arith.constant 0 : i32
    %scan3A_5 = arith.constant 0 : i32
    %scan3A_6 = arith.constant 10 : i32
    %scan3A_7 = arith.addi %scan3A_5, %scan3A_6 : i32
    %scan3A_8 = arith.constant 1 : i32
    scf.for %scan3A_11 = %scan3A_5 to %scan3A_7 step %scan3A_8  : i32 {
      %mul3A_12 = arith.constant 16 : i32
      %mul3A_13 = arith.muli %scan3A_11, %mul3A_12 : i32
      %add3A_14 = arith.addi %mul3A_4, %mul3A_13 : i32
      "tpu.region"() ({
        %run_scoped3A = tpu.sem_alloc : memref<!tpu.dma_semaphore, #tpu.memory_space<semaphore_mem>>
        %dma_start3A_63 = arith.constant 0 : i32
        %dma_start3A_64 = tpu.memref_slice %arg3[%add3A_14, %dma_start3A_63] : memref<5120x64xi32, #tpu.memory_space<hbm>> -> memref<16x64xi32, #tpu.memory_space<hbm>>
        %dma_start3A_65 = arith.constant 0 : i32
        %dma_start3A_66 = tpu.memref_slice %arg3[%add3A_14, %dma_start3A_65] : memref<5120x64xi32, #tpu.memory_space<hbm>> -> memref<16x64xi32, #tpu.memory_space<hbm>>
        tpu.enqueue_dma source(%dma_start3A_66 : memref<16x64xi32, #tpu.memory_space<hbm>>) target(%arg7 : memref<16x64xi32, #tpu.memory_space<vmem>>) target_semaphore(%run_scoped3A : memref<!tpu.dma_semaphore, #tpu.memory_space<semaphore_mem>>)
        %dma_wait3A = arith.constant 0 : i32
        %dma_wait3A_67 = tpu.memref_slice %arg3[%add3A_14, %dma_wait3A] : memref<5120x64xi32, #tpu.memory_space<hbm>> -> memref<16x64xi32, #tpu.memory_space<hbm>>
        %dma_wait3A_68 = arith.constant 0 : i32
        %dma_wait3A_69 = tpu.memref_slice %arg3[%add3A_14, %dma_wait3A_68] : memref<5120x64xi32, #tpu.memory_space<hbm>> -> memref<16x64xi32, #tpu.memory_space<hbm>>
        tpu.wait_dma2 semaphore(%run_scoped3A : memref<!tpu.dma_semaphore, #tpu.memory_space<semaphore_mem>>) src(%dma_wait3A_69 : memref<16x64xi32, #tpu.memory_space<hbm>>) dst(%arg7 : memref<16x64xi32, #tpu.memory_space<vmem>>)
        tpu.yield
      }) : () -> ()
      %mul3A_15 = arith.constant 16 : i32
      %mul3A_16 = arith.muli %scan3A_11, %mul3A_15 : i32
      %add3A_17 = arith.addi %mul3A_4, %mul3A_16 : i32
      "tpu.region"() ({
        %run_scoped3A = tpu.sem_alloc : memref<!tpu.dma_semaphore, #tpu.memory_space<semaphore_mem>>
        %dma_start3A_63 = arith.constant 0 : i32
        %dma_start3A_64 = tpu.memref_slice %arg4[%add3A_17, %dma_start3A_63] : memref<5120x64xi32, #tpu.memory_space<hbm>> -> memref<16x64xi32, #tpu.memory_space<hbm>>
        %dma_start3A_65 = arith.constant 0 : i32
        %dma_start3A_66 = tpu.memref_slice %arg4[%add3A_17, %dma_start3A_65] : memref<5120x64xi32, #tpu.memory_space<hbm>> -> memref<16x64xi32, #tpu.memory_space<hbm>>
        tpu.enqueue_dma source(%dma_start3A_66 : memref<16x64xi32, #tpu.memory_space<hbm>>) target(%arg8 : memref<16x64xi32, #tpu.memory_space<vmem>>) target_semaphore(%run_scoped3A : memref<!tpu.dma_semaphore, #tpu.memory_space<semaphore_mem>>)
        %dma_wait3A = arith.constant 0 : i32
        %dma_wait3A_67 = tpu.memref_slice %arg4[%add3A_17, %dma_wait3A] : memref<5120x64xi32, #tpu.memory_space<hbm>> -> memref<16x64xi32, #tpu.memory_space<hbm>>
        %dma_wait3A_68 = arith.constant 0 : i32
        %dma_wait3A_69 = tpu.memref_slice %arg4[%add3A_17, %dma_wait3A_68] : memref<5120x64xi32, #tpu.memory_space<hbm>> -> memref<16x64xi32, #tpu.memory_space<hbm>>
        tpu.wait_dma2 semaphore(%run_scoped3A : memref<!tpu.dma_semaphore, #tpu.memory_space<semaphore_mem>>) src(%dma_wait3A_69 : memref<16x64xi32, #tpu.memory_space<hbm>>) dst(%arg8 : memref<16x64xi32, #tpu.memory_space<vmem>>)
        tpu.yield
      }) : () -> ()
      %dma_start3A = arith.constant 0 : i32
      %dma_start3A_18 = arith.constant 0 : i32
      %dma_start3A_19 = arith.constant 0 : i32
      %dma_start3A_20 = tpu.memref_slice %arg9[%dma_start3A_18, %dma_start3A_19] : memref<64x128xf32, #tpu.memory_space<vmem>> -> memref<16x128xf32, #tpu.memory_space<vmem>>
      %dma_start3A_21 = arith.constant 0 : i32
      %dma_start3A_22 = tpu.memref_slice %arg7[%dma_start3A, %dma_start3A_21] : memref<16x64xi32, #tpu.memory_space<vmem>> -> memref<1x16xi32, #tpu.memory_space<vmem>>
      %dma_start3A_23 = tpu.memref_squeeze %dma_start3A_22 : memref<1x16xi32, #tpu.memory_space<vmem>> -> memref<16xi32, #tpu.memory_space<vmem>>
      %dma_start3A_24 = arith.constant 0 : i32
      %dma_start3A_25 = arith.constant 0 : i32
      %dma_start3A_26 = tpu.memref_slice %arg2[%dma_start3A_24, %dma_start3A_25] : memref<10000x128xf32, #tpu.memory_space<hbm>> -> memref<10000x128xf32, #tpu.memory_space<hbm>>
      tpu.enqueue_indirect_dma source(%dma_start3A_26 : memref<10000x128xf32, #tpu.memory_space<hbm>>) target(%dma_start3A_20 : memref<16x128xf32, #tpu.memory_space<vmem>>) offsets(%dma_start3A_23 : memref<16xi32, #tpu.memory_space<vmem>>) semaphore(%arg12 : memref<!tpu.dma_semaphore, #tpu.memory_space<semaphore_mem>>)
      %dma_start3A_27 = arith.constant 0 : i32
      %dma_start3A_28 = arith.constant 16 : i32
      %dma_start3A_29 = arith.constant 0 : i32
      %dma_start3A_30 = tpu.memref_slice %arg9[%dma_start3A_28, %dma_start3A_29] : memref<64x128xf32, #tpu.memory_space<vmem>> -> memref<16x128xf32, #tpu.memory_space<vmem>>
      %dma_start3A_31 = arith.constant 16 : i32
      %dma_start3A_32 = tpu.memref_slice %arg7[%dma_start3A_27, %dma_start3A_31] : memref<16x64xi32, #tpu.memory_space<vmem>> -> memref<1x16xi32, #tpu.memory_space<vmem>>
      %dma_start3A_33 = tpu.memref_squeeze %dma_start3A_32 : memref<1x16xi32, #tpu.memory_space<vmem>> -> memref<16xi32, #tpu.memory_space<vmem>>
      %dma_start3A_34 = arith.constant 0 : i32
      %dma_start3A_35 = arith.constant 0 : i32
      %dma_start3A_36 = tpu.memref_slice %arg2[%dma_start3A_34, %dma_start3A_35] : memref<10000x128xf32, #tpu.memory_space<hbm>> -> memref<10000x128xf32, #tpu.memory_space<hbm>>
      tpu.enqueue_indirect_dma source(%dma_start3A_36 : memref<10000x128xf32, #tpu.memory_space<hbm>>) target(%dma_start3A_30 : memref<16x128xf32, #tpu.memory_space<vmem>>) offsets(%dma_start3A_33 : memref<16xi32, #tpu.memory_space<vmem>>) semaphore(%arg13 : memref<!tpu.dma_semaphore, #tpu.memory_space<semaphore_mem>>)
      %dma_start3A_37 = arith.constant 0 : i32
      %dma_start3A_38 = arith.constant 32 : i32
      %dma_start3A_39 = arith.constant 0 : i32
      %dma_start3A_40 = tpu.memref_slice %arg9[%dma_start3A_38, %dma_start3A_39] : memref<64x128xf32, #tpu.memory_space<vmem>> -> memref<16x128xf32, #tpu.memory_space<vmem>>
      %dma_start3A_41 = arith.constant 32 : i32
      %dma_start3A_42 = tpu.memref_slice %arg7[%dma_start3A_37, %dma_start3A_41] : memref<16x64xi32, #tpu.memory_space<vmem>> -> memref<1x16xi32, #tpu.memory_space<vmem>>
      %dma_start3A_43 = tpu.memref_squeeze %dma_start3A_42 : memref<1x16xi32, #tpu.memory_space<vmem>> -> memref<16xi32, #tpu.memory_space<vmem>>
      %dma_start3A_44 = arith.constant 0 : i32
      %dma_start3A_45 = arith.constant 0 : i32
      %dma_start3A_46 = tpu.memref_slice %arg2[%dma_start3A_44, %dma_start3A_45] : memref<10000x128xf32, #tpu.memory_space<hbm>> -> memref<10000x128xf32, #tpu.memory_space<hbm>>
      tpu.enqueue_indirect_dma source(%dma_start3A_46 : memref<10000x128xf32, #tpu.memory_space<hbm>>) target(%dma_start3A_40 : memref<16x128xf32, #tpu.memory_space<vmem>>) offsets(%dma_start3A_43 : memref<16xi32, #tpu.memory_space<vmem>>) semaphore(%arg14 : memref<!tpu.dma_semaphore, #tpu.memory_space<semaphore_mem>>)
      %dma_start3A_47 = arith.constant 0 : i32
      %dma_start3A_48 = arith.constant 48 : i32
      %dma_start3A_49 = arith.constant 0 : i32
      %dma_start3A_50 = tpu.memref_slice %arg9[%dma_start3A_48, %dma_start3A_49] : memref<64x128xf32, #tpu.memory_space<vmem>> -> memref<16x128xf32, #tpu.memory_space<vmem>>
      %dma_start3A_51 = arith.constant 48 : i32
      %dma_start3A_52 = tpu.memref_slice %arg7[%dma_start3A_47, %dma_start3A_51] : memref<16x64xi32, #tpu.memory_space<vmem>> -> memref<1x16xi32, #tpu.memory_space<vmem>>
      %dma_start3A_53 = tpu.memref_squeeze %dma_start3A_52 : memref<1x16xi32, #tpu.memory_space<vmem>> -> memref<16xi32, #tpu.memory_space<vmem>>
      %dma_start3A_54 = arith.constant 0 : i32
      %dma_start3A_55 = arith.constant 0 : i32
      %dma_start3A_56 = tpu.memref_slice %arg2[%dma_start3A_54, %dma_start3A_55] : memref<10000x128xf32, #tpu.memory_space<hbm>> -> memref<10000x128xf32, #tpu.memory_space<hbm>>
      tpu.enqueue_indirect_dma source(%dma_start3A_56 : memref<10000x128xf32, #tpu.memory_space<hbm>>) target(%dma_start3A_50 : memref<16x128xf32, #tpu.memory_space<vmem>>) offsets(%dma_start3A_53 : memref<16xi32, #tpu.memory_space<vmem>>) semaphore(%arg15 : memref<!tpu.dma_semaphore, #tpu.memory_space<semaphore_mem>>)
      %scan3A_57 = arith.constant 0 : i32
      %scan3A_58 = arith.constant 0 : i32
      %scan3A_59 = arith.constant 8 : i32
      %scan3A_60 = arith.addi %scan3A_58, %scan3A_59 : i32
      %scan3A_61 = arith.constant 1 : i32
      scf.for %scan3A_63 = %scan3A_58 to %scan3A_60 step %scan3A_61  : i32 {
        %mul3A_64 = arith.constant 2 : i32
        %mul3A_65 = arith.muli %mul3A_64, %scan3A_63 : i32
        %add3A_66 = arith.constant 1 : i32
        %add3A_67 = arith.addi %mul3A_65, %add3A_66 : i32
        %dma_start3A_68 = arith.constant 0 : i32
        %dma_start3A_69 = arith.constant 0 : i32
        %dma_start3A_70 = tpu.memref_slice %arg10[%dma_start3A_68, %dma_start3A_69] : memref<64x128xf32, #tpu.memory_space<vmem>> -> memref<16x128xf32, #tpu.memory_space<vmem>>
        %dma_start3A_71 = arith.constant 0 : i32
        %dma_start3A_72 = tpu.memref_slice %arg7[%add3A_67, %dma_start3A_71] : memref<16x64xi32, #tpu.memory_space<vmem>> -> memref<1x16xi32, #tpu.memory_space<vmem>>
        %dma_start3A_73 = tpu.memref_squeeze %dma_start3A_72 : memref<1x16xi32, #tpu.memory_space<vmem>> -> memref<16xi32, #tpu.memory_space<vmem>>
        %dma_start3A_74 = arith.constant 0 : i32
        %dma_start3A_75 = arith.constant 0 : i32
        %dma_start3A_76 = tpu.memref_slice %arg2[%dma_start3A_74, %dma_start3A_75] : memref<10000x128xf32, #tpu.memory_space<hbm>> -> memref<10000x128xf32, #tpu.memory_space<hbm>>
        tpu.enqueue_indirect_dma source(%dma_start3A_76 : memref<10000x128xf32, #tpu.memory_space<hbm>>) target(%dma_start3A_70 : memref<16x128xf32, #tpu.memory_space<vmem>>) offsets(%dma_start3A_73 : memref<16xi32, #tpu.memory_space<vmem>>) semaphore(%arg16 : memref<!tpu.dma_semaphore, #tpu.memory_space<semaphore_mem>>)
        %dma_start3A_77 = arith.constant 16 : i32
        %dma_start3A_78 = arith.constant 0 : i32
        %dma_start3A_79 = tpu.memref_slice %arg10[%dma_start3A_77, %dma_start3A_78] : memref<64x128xf32, #tpu.memory_space<vmem>> -> memref<16x128xf32, #tpu.memory_space<vmem>>
        %dma_start3A_80 = arith.constant 16 : i32
        %dma_start3A_81 = tpu.memref_slice %arg7[%add3A_67, %dma_start3A_80] : memref<16x64xi32, #tpu.memory_space<vmem>> -> memref<1x16xi32, #tpu.memory_space<vmem>>
        %dma_start3A_82 = tpu.memref_squeeze %dma_start3A_81 : memref<1x16xi32, #tpu.memory_space<vmem>> -> memref<16xi32, #tpu.memory_space<vmem>>
        %dma_start3A_83 = arith.constant 0 : i32
        %dma_start3A_84 = arith.constant 0 : i32
        %dma_start3A_85 = tpu.memref_slice %arg2[%dma_start3A_83, %dma_start3A_84] : memref<10000x128xf32, #tpu.memory_space<hbm>> -> memref<10000x128xf32, #tpu.memory_space<hbm>>
        tpu.enqueue_indirect_dma source(%dma_start3A_85 : memref<10000x128xf32, #tpu.memory_space<hbm>>) target(%dma_start3A_79 : memref<16x128xf32, #tpu.memory_space<vmem>>) offsets(%dma_start3A_82 : memref<16xi32, #tpu.memory_space<vmem>>) semaphore(%arg17 : memref<!tpu.dma_semaphore, #tpu.memory_space<semaphore_mem>>)
        %dma_start3A_86 = arith.constant 32 : i32
        %dma_start3A_87 = arith.constant 0 : i32
        %dma_start3A_88 = tpu.memref_slice %arg10[%dma_start3A_86, %dma_start3A_87] : memref<64x128xf32, #tpu.memory_space<vmem>> -> memref<16x128xf32, #tpu.memory_space<vmem>>
        %dma_start3A_89 = arith.constant 32 : i32
        %dma_start3A_90 = tpu.memref_slice %arg7[%add3A_67, %dma_start3A_89] : memref<16x64xi32, #tpu.memory_space<vmem>> -> memref<1x16xi32, #tpu.memory_space<vmem>>
        %dma_start3A_91 = tpu.memref_squeeze %dma_start3A_90 : memref<1x16xi32, #tpu.memory_space<vmem>> -> memref<16xi32, #tpu.memory_space<vmem>>
        %dma_start3A_92 = arith.constant 0 : i32
        %dma_start3A_93 = arith.constant 0 : i32
        %dma_start3A_94 = tpu.memref_slice %arg2[%dma_start3A_92, %dma_start3A_93] : memref<10000x128xf32, #tpu.memory_space<hbm>> -> memref<10000x128xf32, #tpu.memory_space<hbm>>
        tpu.enqueue_indirect_dma source(%dma_start3A_94 : memref<10000x128xf32, #tpu.memory_space<hbm>>) target(%dma_start3A_88 : memref<16x128xf32, #tpu.memory_space<vmem>>) offsets(%dma_start3A_91 : memref<16xi32, #tpu.memory_space<vmem>>) semaphore(%arg18 : memref<!tpu.dma_semaphore, #tpu.memory_space<semaphore_mem>>)
        %dma_start3A_95 = arith.constant 48 : i32
        %dma_start3A_96 = arith.constant 0 : i32
        %dma_start3A_97 = tpu.memref_slice %arg10[%dma_start3A_95, %dma_start3A_96] : memref<64x128xf32, #tpu.memory_space<vmem>> -> memref<16x128xf32, #tpu.memory_space<vmem>>
        %dma_start3A_98 = arith.constant 48 : i32
        %dma_start3A_99 = tpu.memref_slice %arg7[%add3A_67, %dma_start3A_98] : memref<16x64xi32, #tpu.memory_space<vmem>> -> memref<1x16xi32, #tpu.memory_space<vmem>>
        %dma_start3A_100 = tpu.memref_squeeze %dma_start3A_99 : memref<1x16xi32, #tpu.memory_space<vmem>> -> memref<16xi32, #tpu.memory_space<vmem>>
        %dma_start3A_101 = arith.constant 0 : i32
        %dma_start3A_102 = arith.constant 0 : i32
        %dma_start3A_103 = tpu.memref_slice %arg2[%dma_start3A_101, %dma_start3A_102] : memref<10000x128xf32, #tpu.memory_space<hbm>> -> memref<10000x128xf32, #tpu.memory_space<hbm>>
        tpu.enqueue_indirect_dma source(%dma_start3A_103 : memref<10000x128xf32, #tpu.memory_space<hbm>>) target(%dma_start3A_97 : memref<16x128xf32, #tpu.memory_space<vmem>>) offsets(%dma_start3A_100 : memref<16xi32, #tpu.memory_space<vmem>>) semaphore(%arg19 : memref<!tpu.dma_semaphore, #tpu.memory_space<semaphore_mem>>)
        %dma_wait3A = arith.constant 0 : i32
        %dma_wait3A_104 = arith.constant 0 : i32
        %dma_wait3A_105 = tpu.memref_slice %arg9[%dma_wait3A, %dma_wait3A_104] : memref<64x128xf32, #tpu.memory_space<vmem>> -> memref<16x128xf32, #tpu.memory_space<vmem>>
        %dma_wait3A_106 = arith.constant 0 : i32
        %dma_wait3A_107 = tpu.memref_slice %arg7[%mul3A_65, %dma_wait3A_106] : memref<16x64xi32, #tpu.memory_space<vmem>> -> memref<1x16xi32, #tpu.memory_space<vmem>>
        %dma_wait3A_108 = tpu.memref_squeeze %dma_wait3A_107 : memref<1x16xi32, #tpu.memory_space<vmem>> -> memref<16xi32, #tpu.memory_space<vmem>>
        %dma_wait3A_109 = arith.constant 0 : i32
        %dma_wait3A_110 = arith.constant 0 : i32
        %dma_wait3A_111 = tpu.memref_slice %arg2[%dma_wait3A_109, %dma_wait3A_110] : memref<10000x128xf32, #tpu.memory_space<hbm>> -> memref<10000x128xf32, #tpu.memory_space<hbm>>
        tpu.wait_indirect_dma semaphore(%arg12 : memref<!tpu.dma_semaphore, #tpu.memory_space<semaphore_mem>>) src(%dma_wait3A_111 : memref<10000x128xf32, #tpu.memory_space<hbm>>) dst(%dma_wait3A_105 : memref<16x128xf32, #tpu.memory_space<vmem>>)
        %dma_wait3A_112 = arith.constant 16 : i32
        %dma_wait3A_113 = arith.constant 0 : i32
        %dma_wait3A_114 = tpu.memref_slice %arg9[%dma_wait3A_112, %dma_wait3A_113] : memref<64x128xf32, #tpu.memory_space<vmem>> -> memref<16x128xf32, #tpu.memory_space<vmem>>
        %dma_wait3A_115 = arith.constant 16 : i32
        %dma_wait3A_116 = tpu.memref_slice %arg7[%mul3A_65, %dma_wait3A_115] : memref<16x64xi32, #tpu.memory_space<vmem>> -> memref<1x16xi32, #tpu.memory_space<vmem>>
        %dma_wait3A_117 = tpu.memref_squeeze %dma_wait3A_116 : memref<1x16xi32, #tpu.memory_space<vmem>> -> memref<16xi32, #tpu.memory_space<vmem>>
        %dma_wait3A_118 = arith.constant 0 : i32
        %dma_wait3A_119 = arith.constant 0 : i32
        %dma_wait3A_120 = tpu.memref_slice %arg2[%dma_wait3A_118, %dma_wait3A_119] : memref<10000x128xf32, #tpu.memory_space<hbm>> -> memref<10000x128xf32, #tpu.memory_space<hbm>>
        tpu.wait_indirect_dma semaphore(%arg13 : memref<!tpu.dma_semaphore, #tpu.memory_space<semaphore_mem>>) src(%dma_wait3A_120 : memref<10000x128xf32, #tpu.memory_space<hbm>>) dst(%dma_wait3A_114 : memref<16x128xf32, #tpu.memory_space<vmem>>)
        %dma_wait3A_121 = arith.constant 32 : i32
        %dma_wait3A_122 = arith.constant 0 : i32
        %dma_wait3A_123 = tpu.memref_slice %arg9[%dma_wait3A_121, %dma_wait3A_122] : memref<64x128xf32, #tpu.memory_space<vmem>> -> memref<16x128xf32, #tpu.memory_space<vmem>>
        %dma_wait3A_124 = arith.constant 32 : i32
        %dma_wait3A_125 = tpu.memref_slice %arg7[%mul3A_65, %dma_wait3A_124] : memref<16x64xi32, #tpu.memory_space<vmem>> -> memref<1x16xi32, #tpu.memory_space<vmem>>
        %dma_wait3A_126 = tpu.memref_squeeze %dma_wait3A_125 : memref<1x16xi32, #tpu.memory_space<vmem>> -> memref<16xi32, #tpu.memory_space<vmem>>
        %dma_wait3A_127 = arith.constant 0 : i32
        %dma_wait3A_128 = arith.constant 0 : i32
        %dma_wait3A_129 = tpu.memref_slice %arg2[%dma_wait3A_127, %dma_wait3A_128] : memref<10000x128xf32, #tpu.memory_space<hbm>> -> memref<10000x128xf32, #tpu.memory_space<hbm>>
        tpu.wait_indirect_dma semaphore(%arg14 : memref<!tpu.dma_semaphore, #tpu.memory_space<semaphore_mem>>) src(%dma_wait3A_129 : memref<10000x128xf32, #tpu.memory_space<hbm>>) dst(%dma_wait3A_123 : memref<16x128xf32, #tpu.memory_space<vmem>>)
        %dma_wait3A_130 = arith.constant 48 : i32
        %dma_wait3A_131 = arith.constant 0 : i32
        %dma_wait3A_132 = tpu.memref_slice %arg9[%dma_wait3A_130, %dma_wait3A_131] : memref<64x128xf32, #tpu.memory_space<vmem>> -> memref<16x128xf32, #tpu.memory_space<vmem>>
        %dma_wait3A_133 = arith.constant 48 : i32
        %dma_wait3A_134 = tpu.memref_slice %arg7[%mul3A_65, %dma_wait3A_133] : memref<16x64xi32, #tpu.memory_space<vmem>> -> memref<1x16xi32, #tpu.memory_space<vmem>>
        %dma_wait3A_135 = tpu.memref_squeeze %dma_wait3A_134 : memref<1x16xi32, #tpu.memory_space<vmem>> -> memref<16xi32, #tpu.memory_space<vmem>>
        %dma_wait3A_136 = arith.constant 0 : i32
        %dma_wait3A_137 = arith.constant 0 : i32
        %dma_wait3A_138 = tpu.memref_slice %arg2[%dma_wait3A_136, %dma_wait3A_137] : memref<10000x128xf32, #tpu.memory_space<hbm>> -> memref<10000x128xf32, #tpu.memory_space<hbm>>
        tpu.wait_indirect_dma semaphore(%arg15 : memref<!tpu.dma_semaphore, #tpu.memory_space<semaphore_mem>>) src(%dma_wait3A_138 : memref<10000x128xf32, #tpu.memory_space<hbm>>) dst(%dma_wait3A_132 : memref<16x128xf32, #tpu.memory_space<vmem>>)
        "tpu.region"() ({
          %run_scoped3A = tpu.sem_alloc : memref<!tpu.dma_semaphore, #tpu.memory_space<semaphore_mem>>
          %dma_start3A_183 = arith.constant 0 : i32
          %dma_start3A_184 = tpu.memref_slice %arg8[%mul3A_65, %dma_start3A_183] : memref<16x64xi32, #tpu.memory_space<vmem>> -> memref<1x64xi32, #tpu.memory_space<vmem>>
          %dma_start3A_185 = tpu.memref_squeeze %dma_start3A_184 : memref<1x64xi32, #tpu.memory_space<vmem>> -> memref<64xi32, #tpu.memory_space<vmem>>
          %dma_start3A_186 = arith.constant 0 : i32
          %dma_start3A_187 = arith.constant 0 : i32
          %dma_start3A_188 = tpu.memref_slice %arg11[%dma_start3A_186, %dma_start3A_187] : memref<10240x128xf32, #tpu.memory_space<vmem_shared>> -> memref<10240x128xf32, #tpu.memory_space<vmem_shared>>
          tpu.enqueue_indirect_dma source(%arg9 : memref<64x128xf32, #tpu.memory_space<vmem>>) target(%dma_start3A_188 : memref<10240x128xf32, #tpu.memory_space<vmem_shared>>) offsets(%dma_start3A_185 : memref<64xi32, #tpu.memory_space<vmem>>) semaphore(%run_scoped3A : memref<!tpu.dma_semaphore, #tpu.memory_space<semaphore_mem>>) {add = true}
          %dma_wait3A_189 = arith.constant 0 : i32
          %dma_wait3A_190 = tpu.memref_slice %arg8[%mul3A_65, %dma_wait3A_189] : memref<16x64xi32, #tpu.memory_space<vmem>> -> memref<1x64xi32, #tpu.memory_space<vmem>>
          %dma_wait3A_191 = tpu.memref_squeeze %dma_wait3A_190 : memref<1x64xi32, #tpu.memory_space<vmem>> -> memref<64xi32, #tpu.memory_space<vmem>>
          %dma_wait3A_192 = arith.constant 0 : i32
          %dma_wait3A_193 = arith.constant 0 : i32
          %dma_wait3A_194 = tpu.memref_slice %arg11[%dma_wait3A_192, %dma_wait3A_193] : memref<10240x128xf32, #tpu.memory_space<vmem_shared>> -> memref<10240x128xf32, #tpu.memory_space<vmem_shared>>
          tpu.wait_indirect_dma semaphore(%run_scoped3A : memref<!tpu.dma_semaphore, #tpu.memory_space<semaphore_mem>>) src(%arg9 : memref<64x128xf32, #tpu.memory_space<vmem>>) dst(%dma_wait3A_194 : memref<10240x128xf32, #tpu.memory_space<vmem_shared>>)
          tpu.yield
        }) : () -> ()
        %add3A_139 = arith.constant 1 : i32
        %add3A_140 = arith.addi %scan3A_63, %add3A_139 : i32
        %lt3A = arith.constant 8 : i32
        %lt3A_141 = arith.cmpi slt, %add3A_140, %lt3A : i32
        %convert_element_type3A = arith.extui %lt3A_141 : i1 to i32
        %cond3A = arith.constant 0 : i32
        %cond3A_142 = arith.cmpi ne, %convert_element_type3A, %cond3A : i32
        scf.if %cond3A_142 {
          %add3A_183 = arith.constant 2 : i32
          %add3A_184 = arith.addi %mul3A_65, %add3A_183 : i32
          %dma_start3A_185 = arith.constant 0 : i32
          %dma_start3A_186 = arith.constant 0 : i32
          %dma_start3A_187 = tpu.memref_slice %arg9[%dma_start3A_185, %dma_start3A_186] : memref<64x128xf32, #tpu.memory_space<vmem>> -> memref<16x128xf32, #tpu.memory_space<vmem>>
          %dma_start3A_188 = arith.constant 0 : i32
          %dma_start3A_189 = tpu.memref_slice %arg7[%add3A_184, %dma_start3A_188] : memref<16x64xi32, #tpu.memory_space<vmem>> -> memref<1x16xi32, #tpu.memory_space<vmem>>
          %dma_start3A_190 = tpu.memref_squeeze %dma_start3A_189 : memref<1x16xi32, #tpu.memory_space<vmem>> -> memref<16xi32, #tpu.memory_space<vmem>>
          %dma_start3A_191 = arith.constant 0 : i32
          %dma_start3A_192 = arith.constant 0 : i32
          %dma_start3A_193 = tpu.memref_slice %arg2[%dma_start3A_191, %dma_start3A_192] : memref<10000x128xf32, #tpu.memory_space<hbm>> -> memref<10000x128xf32, #tpu.memory_space<hbm>>
          tpu.enqueue_indirect_dma source(%dma_start3A_193 : memref<10000x128xf32, #tpu.memory_space<hbm>>) target(%dma_start3A_187 : memref<16x128xf32, #tpu.memory_space<vmem>>) offsets(%dma_start3A_190 : memref<16xi32, #tpu.memory_space<vmem>>) semaphore(%arg12 : memref<!tpu.dma_semaphore, #tpu.memory_space<semaphore_mem>>)
          %dma_start3A_194 = arith.constant 16 : i32
          %dma_start3A_195 = arith.constant 0 : i32
          %dma_start3A_196 = tpu.memref_slice %arg9[%dma_start3A_194, %dma_start3A_195] : memref<64x128xf32, #tpu.memory_space<vmem>> -> memref<16x128xf32, #tpu.memory_space<vmem>>
          %dma_start3A_197 = arith.constant 16 : i32
          %dma_start3A_198 = tpu.memref_slice %arg7[%add3A_184, %dma_start3A_197] : memref<16x64xi32, #tpu.memory_space<vmem>> -> memref<1x16xi32, #tpu.memory_space<vmem>>
          %dma_start3A_199 = tpu.memref_squeeze %dma_start3A_198 : memref<1x16xi32, #tpu.memory_space<vmem>> -> memref<16xi32, #tpu.memory_space<vmem>>
          %dma_start3A_200 = arith.constant 0 : i32
          %dma_start3A_201 = arith.constant 0 : i32
          %dma_start3A_202 = tpu.memref_slice %arg2[%dma_start3A_200, %dma_start3A_201] : memref<10000x128xf32, #tpu.memory_space<hbm>> -> memref<10000x128xf32, #tpu.memory_space<hbm>>
          tpu.enqueue_indirect_dma source(%dma_start3A_202 : memref<10000x128xf32, #tpu.memory_space<hbm>>) target(%dma_start3A_196 : memref<16x128xf32, #tpu.memory_space<vmem>>) offsets(%dma_start3A_199 : memref<16xi32, #tpu.memory_space<vmem>>) semaphore(%arg13 : memref<!tpu.dma_semaphore, #tpu.memory_space<semaphore_mem>>)
          %dma_start3A_203 = arith.constant 32 : i32
          %dma_start3A_204 = arith.constant 0 : i32
          %dma_start3A_205 = tpu.memref_slice %arg9[%dma_start3A_203, %dma_start3A_204] : memref<64x128xf32, #tpu.memory_space<vmem>> -> memref<16x128xf32, #tpu.memory_space<vmem>>
          %dma_start3A_206 = arith.constant 32 : i32
          %dma_start3A_207 = tpu.memref_slice %arg7[%add3A_184, %dma_start3A_206] : memref<16x64xi32, #tpu.memory_space<vmem>> -> memref<1x16xi32, #tpu.memory_space<vmem>>
          %dma_start3A_208 = tpu.memref_squeeze %dma_start3A_207 : memref<1x16xi32, #tpu.memory_space<vmem>> -> memref<16xi32, #tpu.memory_space<vmem>>
          %dma_start3A_209 = arith.constant 0 : i32
          %dma_start3A_210 = arith.constant 0 : i32
          %dma_start3A_211 = tpu.memref_slice %arg2[%dma_start3A_209, %dma_start3A_210] : memref<10000x128xf32, #tpu.memory_space<hbm>> -> memref<10000x128xf32, #tpu.memory_space<hbm>>
          tpu.enqueue_indirect_dma source(%dma_start3A_211 : memref<10000x128xf32, #tpu.memory_space<hbm>>) target(%dma_start3A_205 : memref<16x128xf32, #tpu.memory_space<vmem>>) offsets(%dma_start3A_208 : memref<16xi32, #tpu.memory_space<vmem>>) semaphore(%arg14 : memref<!tpu.dma_semaphore, #tpu.memory_space<semaphore_mem>>)
          %dma_start3A_212 = arith.constant 48 : i32
          %dma_start3A_213 = arith.constant 0 : i32
          %dma_start3A_214 = tpu.memref_slice %arg9[%dma_start3A_212, %dma_start3A_213] : memref<64x128xf32, #tpu.memory_space<vmem>> -> memref<16x128xf32, #tpu.memory_space<vmem>>
          %dma_start3A_215 = arith.constant 48 : i32
          %dma_start3A_216 = tpu.memref_slice %arg7[%add3A_184, %dma_start3A_215] : memref<16x64xi32, #tpu.memory_space<vmem>> -> memref<1x16xi32, #tpu.memory_space<vmem>>
          %dma_start3A_217 = tpu.memref_squeeze %dma_start3A_216 : memref<1x16xi32, #tpu.memory_space<vmem>> -> memref<16xi32, #tpu.memory_space<vmem>>
          %dma_start3A_218 = arith.constant 0 : i32
          %dma_start3A_219 = arith.constant 0 : i32
          %dma_start3A_220 = tpu.memref_slice %arg2[%dma_start3A_218, %dma_start3A_219] : memref<10000x128xf32, #tpu.memory_space<hbm>> -> memref<10000x128xf32, #tpu.memory_space<hbm>>
          tpu.enqueue_indirect_dma source(%dma_start3A_220 : memref<10000x128xf32, #tpu.memory_space<hbm>>) target(%dma_start3A_214 : memref<16x128xf32, #tpu.memory_space<vmem>>) offsets(%dma_start3A_217 : memref<16xi32, #tpu.memory_space<vmem>>) semaphore(%arg15 : memref<!tpu.dma_semaphore, #tpu.memory_space<semaphore_mem>>)
        } else {
        }
        %add3A_143 = arith.constant 1 : i32
        %add3A_144 = arith.addi %mul3A_65, %add3A_143 : i32
        %dma_wait3A_145 = arith.constant 0 : i32
        %dma_wait3A_146 = arith.constant 0 : i32
        %dma_wait3A_147 = tpu.memref_slice %arg10[%dma_wait3A_145, %dma_wait3A_146] : memref<64x128xf32, #tpu.memory_space<vmem>> -> memref<16x128xf32, #tpu.memory_space<vmem>>
        %dma_wait3A_148 = arith.constant 0 : i32
        %dma_wait3A_149 = tpu.memref_slice %arg7[%add3A_144, %dma_wait3A_148] : memref<16x64xi32, #tpu.memory_space<vmem>> -> memref<1x16xi32, #tpu.memory_space<vmem>>
        %dma_wait3A_150 = tpu.memref_squeeze %dma_wait3A_149 : memref<1x16xi32, #tpu.memory_space<vmem>> -> memref<16xi32, #tpu.memory_space<vmem>>
        %dma_wait3A_151 = arith.constant 0 : i32
        %dma_wait3A_152 = arith.constant 0 : i32
        %dma_wait3A_153 = tpu.memref_slice %arg2[%dma_wait3A_151, %dma_wait3A_152] : memref<10000x128xf32, #tpu.memory_space<hbm>> -> memref<10000x128xf32, #tpu.memory_space<hbm>>
        tpu.wait_indirect_dma semaphore(%arg16 : memref<!tpu.dma_semaphore, #tpu.memory_space<semaphore_mem>>) src(%dma_wait3A_153 : memref<10000x128xf32, #tpu.memory_space<hbm>>) dst(%dma_wait3A_147 : memref<16x128xf32, #tpu.memory_space<vmem>>)
        %dma_wait3A_154 = arith.constant 16 : i32
        %dma_wait3A_155 = arith.constant 0 : i32
        %dma_wait3A_156 = tpu.memref_slice %arg10[%dma_wait3A_154, %dma_wait3A_155] : memref<64x128xf32, #tpu.memory_space<vmem>> -> memref<16x128xf32, #tpu.memory_space<vmem>>
        %dma_wait3A_157 = arith.constant 16 : i32
        %dma_wait3A_158 = tpu.memref_slice %arg7[%add3A_144, %dma_wait3A_157] : memref<16x64xi32, #tpu.memory_space<vmem>> -> memref<1x16xi32, #tpu.memory_space<vmem>>
        %dma_wait3A_159 = tpu.memref_squeeze %dma_wait3A_158 : memref<1x16xi32, #tpu.memory_space<vmem>> -> memref<16xi32, #tpu.memory_space<vmem>>
        %dma_wait3A_160 = arith.constant 0 : i32
        %dma_wait3A_161 = arith.constant 0 : i32
        %dma_wait3A_162 = tpu.memref_slice %arg2[%dma_wait3A_160, %dma_wait3A_161] : memref<10000x128xf32, #tpu.memory_space<hbm>> -> memref<10000x128xf32, #tpu.memory_space<hbm>>
        tpu.wait_indirect_dma semaphore(%arg17 : memref<!tpu.dma_semaphore, #tpu.memory_space<semaphore_mem>>) src(%dma_wait3A_162 : memref<10000x128xf32, #tpu.memory_space<hbm>>) dst(%dma_wait3A_156 : memref<16x128xf32, #tpu.memory_space<vmem>>)
        %dma_wait3A_163 = arith.constant 32 : i32
        %dma_wait3A_164 = arith.constant 0 : i32
        %dma_wait3A_165 = tpu.memref_slice %arg10[%dma_wait3A_163, %dma_wait3A_164] : memref<64x128xf32, #tpu.memory_space<vmem>> -> memref<16x128xf32, #tpu.memory_space<vmem>>
        %dma_wait3A_166 = arith.constant 32 : i32
        %dma_wait3A_167 = tpu.memref_slice %arg7[%add3A_144, %dma_wait3A_166] : memref<16x64xi32, #tpu.memory_space<vmem>> -> memref<1x16xi32, #tpu.memory_space<vmem>>
        %dma_wait3A_168 = tpu.memref_squeeze %dma_wait3A_167 : memref<1x16xi32, #tpu.memory_space<vmem>> -> memref<16xi32, #tpu.memory_space<vmem>>
        %dma_wait3A_169 = arith.constant 0 : i32
        %dma_wait3A_170 = arith.constant 0 : i32
        %dma_wait3A_171 = tpu.memref_slice %arg2[%dma_wait3A_169, %dma_wait3A_170] : memref<10000x128xf32, #tpu.memory_space<hbm>> -> memref<10000x128xf32, #tpu.memory_space<hbm>>
        tpu.wait_indirect_dma semaphore(%arg18 : memref<!tpu.dma_semaphore, #tpu.memory_space<semaphore_mem>>) src(%dma_wait3A_171 : memref<10000x128xf32, #tpu.memory_space<hbm>>) dst(%dma_wait3A_165 : memref<16x128xf32, #tpu.memory_space<vmem>>)
        %dma_wait3A_172 = arith.constant 48 : i32
        %dma_wait3A_173 = arith.constant 0 : i32
        %dma_wait3A_174 = tpu.memref_slice %arg10[%dma_wait3A_172, %dma_wait3A_173] : memref<64x128xf32, #tpu.memory_space<vmem>> -> memref<16x128xf32, #tpu.memory_space<vmem>>
        %dma_wait3A_175 = arith.constant 48 : i32
        %dma_wait3A_176 = tpu.memref_slice %arg7[%add3A_144, %dma_wait3A_175] : memref<16x64xi32, #tpu.memory_space<vmem>> -> memref<1x16xi32, #tpu.memory_space<vmem>>
        %dma_wait3A_177 = tpu.memref_squeeze %dma_wait3A_176 : memref<1x16xi32, #tpu.memory_space<vmem>> -> memref<16xi32, #tpu.memory_space<vmem>>
        %dma_wait3A_178 = arith.constant 0 : i32
        %dma_wait3A_179 = arith.constant 0 : i32
        %dma_wait3A_180 = tpu.memref_slice %arg2[%dma_wait3A_178, %dma_wait3A_179] : memref<10000x128xf32, #tpu.memory_space<hbm>> -> memref<10000x128xf32, #tpu.memory_space<hbm>>
        tpu.wait_indirect_dma semaphore(%arg19 : memref<!tpu.dma_semaphore, #tpu.memory_space<semaphore_mem>>) src(%dma_wait3A_180 : memref<10000x128xf32, #tpu.memory_space<hbm>>) dst(%dma_wait3A_174 : memref<16x128xf32, #tpu.memory_space<vmem>>)
        %add3A_181 = arith.constant 1 : i32
        %add3A_182 = arith.addi %mul3A_65, %add3A_181 : i32
        "tpu.region"() ({
          %run_scoped3A = tpu.sem_alloc : memref<!tpu.dma_semaphore, #tpu.memory_space<semaphore_mem>>
          %dma_start3A_183 = arith.constant 0 : i32
          %dma_start3A_184 = tpu.memref_slice %arg8[%add3A_182, %dma_start3A_183] : memref<16x64xi32, #tpu.memory_space<vmem>> -> memref<1x64xi32, #tpu.memory_space<vmem>>
          %dma_start3A_185 = tpu.memref_squeeze %dma_start3A_184 : memref<1x64xi32, #tpu.memory_space<vmem>> -> memref<64xi32, #tpu.memory_space<vmem>>
          %dma_start3A_186 = arith.constant 0 : i32
          %dma_start3A_187 = arith.constant 0 : i32
          %dma_start3A_188 = tpu.memref_slice %arg11[%dma_start3A_186, %dma_start3A_187] : memref<10240x128xf32, #tpu.memory_space<vmem_shared>> -> memref<10240x128xf32, #tpu.memory_space<vmem_shared>>
          tpu.enqueue_indirect_dma source(%arg10 : memref<64x128xf32, #tpu.memory_space<vmem>>) target(%dma_start3A_188 : memref<10240x128xf32, #tpu.memory_space<vmem_shared>>) offsets(%dma_start3A_185 : memref<64xi32, #tpu.memory_space<vmem>>) semaphore(%run_scoped3A : memref<!tpu.dma_semaphore, #tpu.memory_space<semaphore_mem>>) {add = true}
          %dma_wait3A_189 = arith.constant 0 : i32
          %dma_wait3A_190 = tpu.memref_slice %arg8[%add3A_182, %dma_wait3A_189] : memref<16x64xi32, #tpu.memory_space<vmem>> -> memref<1x64xi32, #tpu.memory_space<vmem>>
          %dma_wait3A_191 = tpu.memref_squeeze %dma_wait3A_190 : memref<1x64xi32, #tpu.memory_space<vmem>> -> memref<64xi32, #tpu.memory_space<vmem>>
          %dma_wait3A_192 = arith.constant 0 : i32
          %dma_wait3A_193 = arith.constant 0 : i32
          %dma_wait3A_194 = tpu.memref_slice %arg11[%dma_wait3A_192, %dma_wait3A_193] : memref<10240x128xf32, #tpu.memory_space<vmem_shared>> -> memref<10240x128xf32, #tpu.memory_space<vmem_shared>>
          tpu.wait_indirect_dma semaphore(%run_scoped3A : memref<!tpu.dma_semaphore, #tpu.memory_space<semaphore_mem>>) src(%arg10 : memref<64x128xf32, #tpu.memory_space<vmem>>) dst(%dma_wait3A_194 : memref<10240x128xf32, #tpu.memory_space<vmem_shared>>)
          tpu.yield
        }) : () -> ()
      }
      %scan3A_62 = arith.constant 8 : i32
    }
    %scan3A_9 = arith.constant 10 : i32
    %barrier3A_10 = arith.constant 0 : index
    tpu.barrier barrier_id(%barrier3A_10)
    "tpu.region"() ({
      %run_scoped3A = tpu.sem_alloc : memref<!tpu.dma_semaphore, #tpu.memory_space<semaphore_mem>>
      %dma_start3A = arith.constant 0 : i32
      %dma_start3A_11 = tpu.memref_slice %arg6[%arg0, %mul3A_2, %dma_start3A] : memref<2x10240x128xf32, #tpu.memory_space<hbm>> -> memref<1x640x128xf32, #tpu.memory_space<hbm>>
      %dma_start3A_12 = tpu.memref_squeeze %dma_start3A_11 : memref<1x640x128xf32, #tpu.memory_space<hbm>> -> memref<640x128xf32, #tpu.memory_space<hbm>>
      %dma_start3A_13 = arith.constant 0 : i32
      %dma_start3A_14 = tpu.memref_slice %arg11[%mul3A_2, %dma_start3A_13] : memref<10240x128xf32, #tpu.memory_space<vmem_shared>> -> memref<640x128xf32, #tpu.memory_space<vmem_shared>>
      tpu.enqueue_dma source(%dma_start3A_14 : memref<640x128xf32, #tpu.memory_space<vmem_shared>>) target(%dma_start3A_12 : memref<640x128xf32, #tpu.memory_space<hbm>>) target_semaphore(%run_scoped3A : memref<!tpu.dma_semaphore, #tpu.memory_space<semaphore_mem>>)
      %dma_wait3A = arith.constant 0 : i32
      %dma_wait3A_15 = tpu.memref_slice %arg6[%arg0, %mul3A_2, %dma_wait3A] : memref<2x10240x128xf32, #tpu.memory_space<hbm>> -> memref<1x640x128xf32, #tpu.memory_space<hbm>>
      %dma_wait3A_16 = tpu.memref_squeeze %dma_wait3A_15 : memref<1x640x128xf32, #tpu.memory_space<hbm>> -> memref<640x128xf32, #tpu.memory_space<hbm>>
      %dma_wait3A_17 = arith.constant 0 : i32
      %dma_wait3A_18 = tpu.memref_slice %arg11[%mul3A_2, %dma_wait3A_17] : memref<10240x128xf32, #tpu.memory_space<vmem_shared>> -> memref<640x128xf32, #tpu.memory_space<vmem_shared>>
      tpu.wait_dma2 semaphore(%run_scoped3A : memref<!tpu.dma_semaphore, #tpu.memory_space<semaphore_mem>>) src(%dma_wait3A_18 : memref<640x128xf32, #tpu.memory_space<vmem_shared>>) dst(%dma_wait3A_16 : memref<640x128xf32, #tpu.memory_space<hbm>>)
      tpu.yield
    }) : () -> ()
    return
  }
}

#map = affine_map<(d0, d1) -> (0, 0)>
#map1 = affine_map<(d0, d1) -> (0, 0, 0)>
module attributes {stable_mosaic.version = 14 : i64} {
  func.func @_sc_deg_body(%arg0: i32, %arg1: i32, %arg2: memref<5120x64xi32, #tpu.memory_space<hbm>>, %arg3: memref<10240x128xf32, #tpu.memory_space<hbm>>, %arg4: memref<64x128xf32, #tpu.memory_space<hbm>>, %arg5: memref<2x10240x128xf32, #tpu.memory_space<hbm>>, %arg6: memref<16x64xi32, #tpu.memory_space<vmem>>, %arg7: memref<64x128xf32, #tpu.memory_space<vmem>>, %arg8: memref<10240x128xf32, #tpu.memory_space<vmem_shared>>, %arg9: memref<!tpu.dma_semaphore, #tpu.memory_space<semaphore_mem>>) attributes {dimension_semantics = [#tpu.dimension_semantics<core_parallel>, #tpu.dimension_semantics<subcore_parallel>], iteration_bounds = array<i64: 2, 16>, scalar_prefetch = 0 : i64, scratch_operands = 4 : i64, tpu.core_type = #tpu.core_type<sc_vector_subcore>, window_params = [{transform_indices = #map}, {transform_indices = #map}, {transform_indices = #map}, {transform_indices = #map1}]} {
    %mul3A = arith.constant 16 : i32
    %mul3A_0 = arith.muli %arg0, %mul3A : i32
    %add3A = arith.addi %mul3A_0, %arg1 : i32
    %mul3A_1 = arith.constant 640 : i32
    %mul3A_2 = arith.muli %arg1, %mul3A_1 : i32
    "tpu.region"() ({
      %run_scoped3A = tpu.sem_alloc : memref<!tpu.dma_semaphore, #tpu.memory_space<semaphore_mem>>
      %dma_start3A = arith.constant 0 : i32
      %dma_start3A_11 = tpu.memref_slice %arg8[%mul3A_2, %dma_start3A] : memref<10240x128xf32, #tpu.memory_space<vmem_shared>> -> memref<640x128xf32, #tpu.memory_space<vmem_shared>>
      %dma_start3A_12 = arith.constant 0 : i32
      %dma_start3A_13 = tpu.memref_slice %arg3[%mul3A_2, %dma_start3A_12] : memref<10240x128xf32, #tpu.memory_space<hbm>> -> memref<640x128xf32, #tpu.memory_space<hbm>>
      tpu.enqueue_dma source(%dma_start3A_13 : memref<640x128xf32, #tpu.memory_space<hbm>>) target(%dma_start3A_11 : memref<640x128xf32, #tpu.memory_space<vmem_shared>>) target_semaphore(%run_scoped3A : memref<!tpu.dma_semaphore, #tpu.memory_space<semaphore_mem>>)
      %dma_wait3A = arith.constant 0 : i32
      %dma_wait3A_14 = tpu.memref_slice %arg8[%mul3A_2, %dma_wait3A] : memref<10240x128xf32, #tpu.memory_space<vmem_shared>> -> memref<640x128xf32, #tpu.memory_space<vmem_shared>>
      %dma_wait3A_15 = arith.constant 0 : i32
      %dma_wait3A_16 = tpu.memref_slice %arg3[%mul3A_2, %dma_wait3A_15] : memref<10240x128xf32, #tpu.memory_space<hbm>> -> memref<640x128xf32, #tpu.memory_space<hbm>>
      tpu.wait_dma2 semaphore(%run_scoped3A : memref<!tpu.dma_semaphore, #tpu.memory_space<semaphore_mem>>) src(%dma_wait3A_16 : memref<640x128xf32, #tpu.memory_space<hbm>>) dst(%dma_wait3A_14 : memref<640x128xf32, #tpu.memory_space<vmem_shared>>)
      tpu.yield
    }) : () -> ()
    "tpu.region"() ({
      %run_scoped3A = tpu.sem_alloc : memref<!tpu.dma_semaphore, #tpu.memory_space<semaphore_mem>>
      tpu.enqueue_dma source(%arg4 : memref<64x128xf32, #tpu.memory_space<hbm>>) target(%arg7 : memref<64x128xf32, #tpu.memory_space<vmem>>) target_semaphore(%run_scoped3A : memref<!tpu.dma_semaphore, #tpu.memory_space<semaphore_mem>>)
      tpu.wait_dma2 semaphore(%run_scoped3A : memref<!tpu.dma_semaphore, #tpu.memory_space<semaphore_mem>>) src(%arg4 : memref<64x128xf32, #tpu.memory_space<hbm>>) dst(%arg7 : memref<64x128xf32, #tpu.memory_space<vmem>>)
      tpu.yield
    }) : () -> ()
    %mul3A_3 = arith.constant 160 : i32
    %mul3A_4 = arith.muli %add3A, %mul3A_3 : i32
    %barrier3A = arith.constant 0 : index
    tpu.barrier barrier_id(%barrier3A)
    %scan3A = arith.constant 0 : i32
    %scan3A_5 = arith.constant 0 : i32
    %scan3A_6 = arith.constant 10 : i32
    %scan3A_7 = arith.addi %scan3A_5, %scan3A_6 : i32
    %scan3A_8 = arith.constant 1 : i32
    scf.for %scan3A_11 = %scan3A_5 to %scan3A_7 step %scan3A_8  : i32 {
      %mul3A_12 = arith.constant 16 : i32
      %mul3A_13 = arith.muli %scan3A_11, %mul3A_12 : i32
      %add3A_14 = arith.addi %mul3A_4, %mul3A_13 : i32
      "tpu.region"() ({
        %run_scoped3A = tpu.sem_alloc : memref<!tpu.dma_semaphore, #tpu.memory_space<semaphore_mem>>
        %dma_start3A = arith.constant 0 : i32
        %dma_start3A_27 = tpu.memref_slice %arg2[%add3A_14, %dma_start3A] : memref<5120x64xi32, #tpu.memory_space<hbm>> -> memref<16x64xi32, #tpu.memory_space<hbm>>
        %dma_start3A_28 = arith.constant 0 : i32
        %dma_start3A_29 = tpu.memref_slice %arg2[%add3A_14, %dma_start3A_28] : memref<5120x64xi32, #tpu.memory_space<hbm>> -> memref<16x64xi32, #tpu.memory_space<hbm>>
        tpu.enqueue_dma source(%dma_start3A_29 : memref<16x64xi32, #tpu.memory_space<hbm>>) target(%arg6 : memref<16x64xi32, #tpu.memory_space<vmem>>) target_semaphore(%run_scoped3A : memref<!tpu.dma_semaphore, #tpu.memory_space<semaphore_mem>>)
        %dma_wait3A = arith.constant 0 : i32
        %dma_wait3A_30 = tpu.memref_slice %arg2[%add3A_14, %dma_wait3A] : memref<5120x64xi32, #tpu.memory_space<hbm>> -> memref<16x64xi32, #tpu.memory_space<hbm>>
        %dma_wait3A_31 = arith.constant 0 : i32
        %dma_wait3A_32 = tpu.memref_slice %arg2[%add3A_14, %dma_wait3A_31] : memref<5120x64xi32, #tpu.memory_space<hbm>> -> memref<16x64xi32, #tpu.memory_space<hbm>>
        tpu.wait_dma2 semaphore(%run_scoped3A : memref<!tpu.dma_semaphore, #tpu.memory_space<semaphore_mem>>) src(%dma_wait3A_32 : memref<16x64xi32, #tpu.memory_space<hbm>>) dst(%arg6 : memref<16x64xi32, #tpu.memory_space<vmem>>)
        tpu.yield
      }) : () -> ()
      %scan3A_15 = arith.constant 0 : i32
      %scan3A_16 = arith.constant 0 : i32
      %scan3A_17 = arith.constant 16 : i32
      %scan3A_18 = arith.addi %scan3A_16, %scan3A_17 : i32
      %scan3A_19 = arith.constant 1 : i32
      scf.for %scan3A_27 = %scan3A_16 to %scan3A_18 step %scan3A_19  : i32 {
        %dma_start3A = arith.constant 0 : i32
        %dma_start3A_28 = tpu.memref_slice %arg6[%scan3A_27, %dma_start3A] : memref<16x64xi32, #tpu.memory_space<vmem>> -> memref<1x64xi32, #tpu.memory_space<vmem>>
        %dma_start3A_29 = tpu.memref_squeeze %dma_start3A_28 : memref<1x64xi32, #tpu.memory_space<vmem>> -> memref<64xi32, #tpu.memory_space<vmem>>
        %dma_start3A_30 = arith.constant 0 : i32
        %dma_start3A_31 = arith.constant 0 : i32
        %dma_start3A_32 = tpu.memref_slice %arg8[%dma_start3A_30, %dma_start3A_31] : memref<10240x128xf32, #tpu.memory_space<vmem_shared>> -> memref<10240x128xf32, #tpu.memory_space<vmem_shared>>
        tpu.enqueue_indirect_dma source(%arg7 : memref<64x128xf32, #tpu.memory_space<vmem>>) target(%dma_start3A_32 : memref<10240x128xf32, #tpu.memory_space<vmem_shared>>) offsets(%dma_start3A_29 : memref<64xi32, #tpu.memory_space<vmem>>) semaphore(%arg9 : memref<!tpu.dma_semaphore, #tpu.memory_space<semaphore_mem>>) {add = true}
      }
      %scan3A_20 = arith.constant 16 : i32
      %scan3A_21 = arith.constant 0 : i32
      %scan3A_22 = arith.constant 0 : i32
      %scan3A_23 = arith.constant 16 : i32
      %scan3A_24 = arith.addi %scan3A_22, %scan3A_23 : i32
      %scan3A_25 = arith.constant 1 : i32
      scf.for %scan3A_27 = %scan3A_22 to %scan3A_24 step %scan3A_25  : i32 {
        %dma_wait3A = arith.constant 0 : i32
        %dma_wait3A_28 = tpu.memref_slice %arg6[%scan3A_27, %dma_wait3A] : memref<16x64xi32, #tpu.memory_space<vmem>> -> memref<1x64xi32, #tpu.memory_space<vmem>>
        %dma_wait3A_29 = tpu.memref_squeeze %dma_wait3A_28 : memref<1x64xi32, #tpu.memory_space<vmem>> -> memref<64xi32, #tpu.memory_space<vmem>>
        %dma_wait3A_30 = arith.constant 0 : i32
        %dma_wait3A_31 = arith.constant 0 : i32
        %dma_wait3A_32 = tpu.memref_slice %arg8[%dma_wait3A_30, %dma_wait3A_31] : memref<10240x128xf32, #tpu.memory_space<vmem_shared>> -> memref<10240x128xf32, #tpu.memory_space<vmem_shared>>
        tpu.wait_indirect_dma semaphore(%arg9 : memref<!tpu.dma_semaphore, #tpu.memory_space<semaphore_mem>>) src(%arg7 : memref<64x128xf32, #tpu.memory_space<vmem>>) dst(%dma_wait3A_32 : memref<10240x128xf32, #tpu.memory_space<vmem_shared>>)
      }
      %scan3A_26 = arith.constant 16 : i32
    }
    %scan3A_9 = arith.constant 10 : i32
    %barrier3A_10 = arith.constant 0 : index
    tpu.barrier barrier_id(%barrier3A_10)
    "tpu.region"() ({
      %run_scoped3A = tpu.sem_alloc : memref<!tpu.dma_semaphore, #tpu.memory_space<semaphore_mem>>
      %dma_start3A = arith.constant 0 : i32
      %dma_start3A_11 = tpu.memref_slice %arg5[%arg0, %mul3A_2, %dma_start3A] : memref<2x10240x128xf32, #tpu.memory_space<hbm>> -> memref<1x640x128xf32, #tpu.memory_space<hbm>>
      %dma_start3A_12 = tpu.memref_squeeze %dma_start3A_11 : memref<1x640x128xf32, #tpu.memory_space<hbm>> -> memref<640x128xf32, #tpu.memory_space<hbm>>
      %dma_start3A_13 = arith.constant 0 : i32
      %dma_start3A_14 = tpu.memref_slice %arg8[%mul3A_2, %dma_start3A_13] : memref<10240x128xf32, #tpu.memory_space<vmem_shared>> -> memref<640x128xf32, #tpu.memory_space<vmem_shared>>
      tpu.enqueue_dma source(%dma_start3A_14 : memref<640x128xf32, #tpu.memory_space<vmem_shared>>) target(%dma_start3A_12 : memref<640x128xf32, #tpu.memory_space<hbm>>) target_semaphore(%run_scoped3A : memref<!tpu.dma_semaphore, #tpu.memory_space<semaphore_mem>>)
      %dma_wait3A = arith.constant 0 : i32
      %dma_wait3A_15 = tpu.memref_slice %arg5[%arg0, %mul3A_2, %dma_wait3A] : memref<2x10240x128xf32, #tpu.memory_space<hbm>> -> memref<1x640x128xf32, #tpu.memory_space<hbm>>
      %dma_wait3A_16 = tpu.memref_squeeze %dma_wait3A_15 : memref<1x640x128xf32, #tpu.memory_space<hbm>> -> memref<640x128xf32, #tpu.memory_space<hbm>>
      %dma_wait3A_17 = arith.constant 0 : i32
      %dma_wait3A_18 = tpu.memref_slice %arg8[%mul3A_2, %dma_wait3A_17] : memref<10240x128xf32, #tpu.memory_space<vmem_shared>> -> memref<640x128xf32, #tpu.memory_space<vmem_shared>>
      tpu.wait_dma2 semaphore(%run_scoped3A : memref<!tpu.dma_semaphore, #tpu.memory_space<semaphore_mem>>) src(%dma_wait3A_18 : memref<640x128xf32, #tpu.memory_space<vmem_shared>>) dst(%dma_wait3A_16 : memref<640x128xf32, #tpu.memory_space<hbm>>)
      tpu.yield
    }) : () -> ()
    return
  }
}

#map = affine_map<(d0, d1) -> (0, 0)>
#map1 = affine_map<(d0, d1) -> (0, 0, 0)>
module attributes {stable_mosaic.version = 14 : i64} {
  func.func @_sc_agg_body(%arg0: i32, %arg1: i32, %arg2: memref<10000x128xf32, #tpu.memory_space<hbm>>, %arg3: memref<5120x64xi32, #tpu.memory_space<hbm>>, %arg4: memref<5120x64xi32, #tpu.memory_space<hbm>>, %arg5: memref<10240x128xf32, #tpu.memory_space<hbm>>, %arg6: memref<2x10240x128xf32, #tpu.memory_space<hbm>>, %arg7: memref<16x64xi32, #tpu.memory_space<vmem>>, %arg8: memref<16x64xi32, #tpu.memory_space<vmem>>, %arg9: memref<64x128xf32, #tpu.memory_space<vmem>>, %arg10: memref<64x128xf32, #tpu.memory_space<vmem>>, %arg11: memref<10240x128xf32, #tpu.memory_space<vmem_shared>>, %arg12: memref<!tpu.dma_semaphore, #tpu.memory_space<semaphore_mem>>, %arg13: memref<!tpu.dma_semaphore, #tpu.memory_space<semaphore_mem>>, %arg14: memref<!tpu.dma_semaphore, #tpu.memory_space<semaphore_mem>>, %arg15: memref<!tpu.dma_semaphore, #tpu.memory_space<semaphore_mem>>, %arg16: memref<!tpu.dma_semaphore, #tpu.memory_space<semaphore_mem>>, %arg17: memref<!tpu.dma_semaphore, #tpu.memory_space<semaphore_mem>>, %arg18: memref<!tpu.dma_semaphore, #tpu.memory_space<semaphore_mem>>, %arg19: memref<!tpu.dma_semaphore, #tpu.memory_space<semaphore_mem>>) attributes {dimension_semantics = [#tpu.dimension_semantics<core_parallel>, #tpu.dimension_semantics<subcore_parallel>], iteration_bounds = array<i64: 2, 16>, scalar_prefetch = 0 : i64, scratch_operands = 13 : i64, tpu.core_type = #tpu.core_type<sc_vector_subcore>, window_params = [{transform_indices = #map}, {transform_indices = #map}, {transform_indices = #map}, {transform_indices = #map}, {transform_indices = #map1}]} {
    %mul3A = arith.constant 16 : i32
    %mul3A_0 = arith.muli %arg0, %mul3A : i32
    %add3A = arith.addi %mul3A_0, %arg1 : i32
    %mul3A_1 = arith.constant 640 : i32
    %mul3A_2 = arith.muli %arg1, %mul3A_1 : i32
    "tpu.region"() ({
      %run_scoped3A = tpu.sem_alloc : memref<!tpu.dma_semaphore, #tpu.memory_space<semaphore_mem>>
      %dma_start3A = arith.constant 0 : i32
      %dma_start3A_11 = tpu.memref_slice %arg11[%mul3A_2, %dma_start3A] : memref<10240x128xf32, #tpu.memory_space<vmem_shared>> -> memref<640x128xf32, #tpu.memory_space<vmem_shared>>
      %dma_start3A_12 = arith.constant 0 : i32
      %dma_start3A_13 = tpu.memref_slice %arg5[%mul3A_2, %dma_start3A_12] : memref<10240x128xf32, #tpu.memory_space<hbm>> -> memref<640x128xf32, #tpu.memory_space<hbm>>
      tpu.enqueue_dma source(%dma_start3A_13 : memref<640x128xf32, #tpu.memory_space<hbm>>) target(%dma_start3A_11 : memref<640x128xf32, #tpu.memory_space<vmem_shared>>) target_semaphore(%run_scoped3A : memref<!tpu.dma_semaphore, #tpu.memory_space<semaphore_mem>>)
      %dma_wait3A = arith.constant 0 : i32
      %dma_wait3A_14 = tpu.memref_slice %arg11[%mul3A_2, %dma_wait3A] : memref<10240x128xf32, #tpu.memory_space<vmem_shared>> -> memref<640x128xf32, #tpu.memory_space<vmem_shared>>
      %dma_wait3A_15 = arith.constant 0 : i32
      %dma_wait3A_16 = tpu.memref_slice %arg5[%mul3A_2, %dma_wait3A_15] : memref<10240x128xf32, #tpu.memory_space<hbm>> -> memref<640x128xf32, #tpu.memory_space<hbm>>
      tpu.wait_dma2 semaphore(%run_scoped3A : memref<!tpu.dma_semaphore, #tpu.memory_space<semaphore_mem>>) src(%dma_wait3A_16 : memref<640x128xf32, #tpu.memory_space<hbm>>) dst(%dma_wait3A_14 : memref<640x128xf32, #tpu.memory_space<vmem_shared>>)
      tpu.yield
    }) : () -> ()
    %mul3A_3 = arith.constant 160 : i32
    %mul3A_4 = arith.muli %add3A, %mul3A_3 : i32
    %barrier3A = arith.constant 0 : index
    tpu.barrier barrier_id(%barrier3A)
    %scan3A = arith.constant 0 : i32
    %scan3A_5 = arith.constant 0 : i32
    %scan3A_6 = arith.constant 10 : i32
    %scan3A_7 = arith.addi %scan3A_5, %scan3A_6 : i32
    %scan3A_8 = arith.constant 1 : i32
    scf.for %scan3A_11 = %scan3A_5 to %scan3A_7 step %scan3A_8  : i32 {
      %mul3A_12 = arith.constant 16 : i32
      %mul3A_13 = arith.muli %scan3A_11, %mul3A_12 : i32
      %add3A_14 = arith.addi %mul3A_4, %mul3A_13 : i32
      "tpu.region"() ({
        %run_scoped3A = tpu.sem_alloc : memref<!tpu.dma_semaphore, #tpu.memory_space<semaphore_mem>>
        %dma_start3A_63 = arith.constant 0 : i32
        %dma_start3A_64 = tpu.memref_slice %arg3[%add3A_14, %dma_start3A_63] : memref<5120x64xi32, #tpu.memory_space<hbm>> -> memref<16x64xi32, #tpu.memory_space<hbm>>
        %dma_start3A_65 = arith.constant 0 : i32
        %dma_start3A_66 = tpu.memref_slice %arg3[%add3A_14, %dma_start3A_65] : memref<5120x64xi32, #tpu.memory_space<hbm>> -> memref<16x64xi32, #tpu.memory_space<hbm>>
        tpu.enqueue_dma source(%dma_start3A_66 : memref<16x64xi32, #tpu.memory_space<hbm>>) target(%arg7 : memref<16x64xi32, #tpu.memory_space<vmem>>) target_semaphore(%run_scoped3A : memref<!tpu.dma_semaphore, #tpu.memory_space<semaphore_mem>>)
        %dma_wait3A = arith.constant 0 : i32
        %dma_wait3A_67 = tpu.memref_slice %arg3[%add3A_14, %dma_wait3A] : memref<5120x64xi32, #tpu.memory_space<hbm>> -> memref<16x64xi32, #tpu.memory_space<hbm>>
        %dma_wait3A_68 = arith.constant 0 : i32
        %dma_wait3A_69 = tpu.memref_slice %arg3[%add3A_14, %dma_wait3A_68] : memref<5120x64xi32, #tpu.memory_space<hbm>> -> memref<16x64xi32, #tpu.memory_space<hbm>>
        tpu.wait_dma2 semaphore(%run_scoped3A : memref<!tpu.dma_semaphore, #tpu.memory_space<semaphore_mem>>) src(%dma_wait3A_69 : memref<16x64xi32, #tpu.memory_space<hbm>>) dst(%arg7 : memref<16x64xi32, #tpu.memory_space<vmem>>)
        tpu.yield
      }) : () -> ()
      %mul3A_15 = arith.constant 16 : i32
      %mul3A_16 = arith.muli %scan3A_11, %mul3A_15 : i32
      %add3A_17 = arith.addi %mul3A_4, %mul3A_16 : i32
      "tpu.region"() ({
        %run_scoped3A = tpu.sem_alloc : memref<!tpu.dma_semaphore, #tpu.memory_space<semaphore_mem>>
        %dma_start3A_63 = arith.constant 0 : i32
        %dma_start3A_64 = tpu.memref_slice %arg4[%add3A_17, %dma_start3A_63] : memref<5120x64xi32, #tpu.memory_space<hbm>> -> memref<16x64xi32, #tpu.memory_space<hbm>>
        %dma_start3A_65 = arith.constant 0 : i32
        %dma_start3A_66 = tpu.memref_slice %arg4[%add3A_17, %dma_start3A_65] : memref<5120x64xi32, #tpu.memory_space<hbm>> -> memref<16x64xi32, #tpu.memory_space<hbm>>
        tpu.enqueue_dma source(%dma_start3A_66 : memref<16x64xi32, #tpu.memory_space<hbm>>) target(%arg8 : memref<16x64xi32, #tpu.memory_space<vmem>>) target_semaphore(%run_scoped3A : memref<!tpu.dma_semaphore, #tpu.memory_space<semaphore_mem>>)
        %dma_wait3A = arith.constant 0 : i32
        %dma_wait3A_67 = tpu.memref_slice %arg4[%add3A_17, %dma_wait3A] : memref<5120x64xi32, #tpu.memory_space<hbm>> -> memref<16x64xi32, #tpu.memory_space<hbm>>
        %dma_wait3A_68 = arith.constant 0 : i32
        %dma_wait3A_69 = tpu.memref_slice %arg4[%add3A_17, %dma_wait3A_68] : memref<5120x64xi32, #tpu.memory_space<hbm>> -> memref<16x64xi32, #tpu.memory_space<hbm>>
        tpu.wait_dma2 semaphore(%run_scoped3A : memref<!tpu.dma_semaphore, #tpu.memory_space<semaphore_mem>>) src(%dma_wait3A_69 : memref<16x64xi32, #tpu.memory_space<hbm>>) dst(%arg8 : memref<16x64xi32, #tpu.memory_space<vmem>>)
        tpu.yield
      }) : () -> ()
      %dma_start3A = arith.constant 0 : i32
      %dma_start3A_18 = arith.constant 0 : i32
      %dma_start3A_19 = arith.constant 0 : i32
      %dma_start3A_20 = tpu.memref_slice %arg9[%dma_start3A_18, %dma_start3A_19] : memref<64x128xf32, #tpu.memory_space<vmem>> -> memref<16x128xf32, #tpu.memory_space<vmem>>
      %dma_start3A_21 = arith.constant 0 : i32
      %dma_start3A_22 = tpu.memref_slice %arg7[%dma_start3A, %dma_start3A_21] : memref<16x64xi32, #tpu.memory_space<vmem>> -> memref<1x16xi32, #tpu.memory_space<vmem>>
      %dma_start3A_23 = tpu.memref_squeeze %dma_start3A_22 : memref<1x16xi32, #tpu.memory_space<vmem>> -> memref<16xi32, #tpu.memory_space<vmem>>
      %dma_start3A_24 = arith.constant 0 : i32
      %dma_start3A_25 = arith.constant 0 : i32
      %dma_start3A_26 = tpu.memref_slice %arg2[%dma_start3A_24, %dma_start3A_25] : memref<10000x128xf32, #tpu.memory_space<hbm>> -> memref<10000x128xf32, #tpu.memory_space<hbm>>
      tpu.enqueue_indirect_dma source(%dma_start3A_26 : memref<10000x128xf32, #tpu.memory_space<hbm>>) target(%dma_start3A_20 : memref<16x128xf32, #tpu.memory_space<vmem>>) offsets(%dma_start3A_23 : memref<16xi32, #tpu.memory_space<vmem>>) semaphore(%arg12 : memref<!tpu.dma_semaphore, #tpu.memory_space<semaphore_mem>>)
      %dma_start3A_27 = arith.constant 0 : i32
      %dma_start3A_28 = arith.constant 16 : i32
      %dma_start3A_29 = arith.constant 0 : i32
      %dma_start3A_30 = tpu.memref_slice %arg9[%dma_start3A_28, %dma_start3A_29] : memref<64x128xf32, #tpu.memory_space<vmem>> -> memref<16x128xf32, #tpu.memory_space<vmem>>
      %dma_start3A_31 = arith.constant 16 : i32
      %dma_start3A_32 = tpu.memref_slice %arg7[%dma_start3A_27, %dma_start3A_31] : memref<16x64xi32, #tpu.memory_space<vmem>> -> memref<1x16xi32, #tpu.memory_space<vmem>>
      %dma_start3A_33 = tpu.memref_squeeze %dma_start3A_32 : memref<1x16xi32, #tpu.memory_space<vmem>> -> memref<16xi32, #tpu.memory_space<vmem>>
      %dma_start3A_34 = arith.constant 0 : i32
      %dma_start3A_35 = arith.constant 0 : i32
      %dma_start3A_36 = tpu.memref_slice %arg2[%dma_start3A_34, %dma_start3A_35] : memref<10000x128xf32, #tpu.memory_space<hbm>> -> memref<10000x128xf32, #tpu.memory_space<hbm>>
      tpu.enqueue_indirect_dma source(%dma_start3A_36 : memref<10000x128xf32, #tpu.memory_space<hbm>>) target(%dma_start3A_30 : memref<16x128xf32, #tpu.memory_space<vmem>>) offsets(%dma_start3A_33 : memref<16xi32, #tpu.memory_space<vmem>>) semaphore(%arg13 : memref<!tpu.dma_semaphore, #tpu.memory_space<semaphore_mem>>)
      %dma_start3A_37 = arith.constant 0 : i32
      %dma_start3A_38 = arith.constant 32 : i32
      %dma_start3A_39 = arith.constant 0 : i32
      %dma_start3A_40 = tpu.memref_slice %arg9[%dma_start3A_38, %dma_start3A_39] : memref<64x128xf32, #tpu.memory_space<vmem>> -> memref<16x128xf32, #tpu.memory_space<vmem>>
      %dma_start3A_41 = arith.constant 32 : i32
      %dma_start3A_42 = tpu.memref_slice %arg7[%dma_start3A_37, %dma_start3A_41] : memref<16x64xi32, #tpu.memory_space<vmem>> -> memref<1x16xi32, #tpu.memory_space<vmem>>
      %dma_start3A_43 = tpu.memref_squeeze %dma_start3A_42 : memref<1x16xi32, #tpu.memory_space<vmem>> -> memref<16xi32, #tpu.memory_space<vmem>>
      %dma_start3A_44 = arith.constant 0 : i32
      %dma_start3A_45 = arith.constant 0 : i32
      %dma_start3A_46 = tpu.memref_slice %arg2[%dma_start3A_44, %dma_start3A_45] : memref<10000x128xf32, #tpu.memory_space<hbm>> -> memref<10000x128xf32, #tpu.memory_space<hbm>>
      tpu.enqueue_indirect_dma source(%dma_start3A_46 : memref<10000x128xf32, #tpu.memory_space<hbm>>) target(%dma_start3A_40 : memref<16x128xf32, #tpu.memory_space<vmem>>) offsets(%dma_start3A_43 : memref<16xi32, #tpu.memory_space<vmem>>) semaphore(%arg14 : memref<!tpu.dma_semaphore, #tpu.memory_space<semaphore_mem>>)
      %dma_start3A_47 = arith.constant 0 : i32
      %dma_start3A_48 = arith.constant 48 : i32
      %dma_start3A_49 = arith.constant 0 : i32
      %dma_start3A_50 = tpu.memref_slice %arg9[%dma_start3A_48, %dma_start3A_49] : memref<64x128xf32, #tpu.memory_space<vmem>> -> memref<16x128xf32, #tpu.memory_space<vmem>>
      %dma_start3A_51 = arith.constant 48 : i32
      %dma_start3A_52 = tpu.memref_slice %arg7[%dma_start3A_47, %dma_start3A_51] : memref<16x64xi32, #tpu.memory_space<vmem>> -> memref<1x16xi32, #tpu.memory_space<vmem>>
      %dma_start3A_53 = tpu.memref_squeeze %dma_start3A_52 : memref<1x16xi32, #tpu.memory_space<vmem>> -> memref<16xi32, #tpu.memory_space<vmem>>
      %dma_start3A_54 = arith.constant 0 : i32
      %dma_start3A_55 = arith.constant 0 : i32
      %dma_start3A_56 = tpu.memref_slice %arg2[%dma_start3A_54, %dma_start3A_55] : memref<10000x128xf32, #tpu.memory_space<hbm>> -> memref<10000x128xf32, #tpu.memory_space<hbm>>
      tpu.enqueue_indirect_dma source(%dma_start3A_56 : memref<10000x128xf32, #tpu.memory_space<hbm>>) target(%dma_start3A_50 : memref<16x128xf32, #tpu.memory_space<vmem>>) offsets(%dma_start3A_53 : memref<16xi32, #tpu.memory_space<vmem>>) semaphore(%arg15 : memref<!tpu.dma_semaphore, #tpu.memory_space<semaphore_mem>>)
      %scan3A_57 = arith.constant 0 : i32
      %scan3A_58 = arith.constant 0 : i32
      %scan3A_59 = arith.constant 8 : i32
      %scan3A_60 = arith.addi %scan3A_58, %scan3A_59 : i32
      %scan3A_61 = arith.constant 1 : i32
      scf.for %scan3A_63 = %scan3A_58 to %scan3A_60 step %scan3A_61  : i32 {
        %mul3A_64 = arith.constant 2 : i32
        %mul3A_65 = arith.muli %mul3A_64, %scan3A_63 : i32
        %add3A_66 = arith.constant 1 : i32
        %add3A_67 = arith.addi %mul3A_65, %add3A_66 : i32
        %dma_start3A_68 = arith.constant 0 : i32
        %dma_start3A_69 = arith.constant 0 : i32
        %dma_start3A_70 = tpu.memref_slice %arg10[%dma_start3A_68, %dma_start3A_69] : memref<64x128xf32, #tpu.memory_space<vmem>> -> memref<16x128xf32, #tpu.memory_space<vmem>>
        %dma_start3A_71 = arith.constant 0 : i32
        %dma_start3A_72 = tpu.memref_slice %arg7[%add3A_67, %dma_start3A_71] : memref<16x64xi32, #tpu.memory_space<vmem>> -> memref<1x16xi32, #tpu.memory_space<vmem>>
        %dma_start3A_73 = tpu.memref_squeeze %dma_start3A_72 : memref<1x16xi32, #tpu.memory_space<vmem>> -> memref<16xi32, #tpu.memory_space<vmem>>
        %dma_start3A_74 = arith.constant 0 : i32
        %dma_start3A_75 = arith.constant 0 : i32
        %dma_start3A_76 = tpu.memref_slice %arg2[%dma_start3A_74, %dma_start3A_75] : memref<10000x128xf32, #tpu.memory_space<hbm>> -> memref<10000x128xf32, #tpu.memory_space<hbm>>
        tpu.enqueue_indirect_dma source(%dma_start3A_76 : memref<10000x128xf32, #tpu.memory_space<hbm>>) target(%dma_start3A_70 : memref<16x128xf32, #tpu.memory_space<vmem>>) offsets(%dma_start3A_73 : memref<16xi32, #tpu.memory_space<vmem>>) semaphore(%arg16 : memref<!tpu.dma_semaphore, #tpu.memory_space<semaphore_mem>>)
        %dma_start3A_77 = arith.constant 16 : i32
        %dma_start3A_78 = arith.constant 0 : i32
        %dma_start3A_79 = tpu.memref_slice %arg10[%dma_start3A_77, %dma_start3A_78] : memref<64x128xf32, #tpu.memory_space<vmem>> -> memref<16x128xf32, #tpu.memory_space<vmem>>
        %dma_start3A_80 = arith.constant 16 : i32
        %dma_start3A_81 = tpu.memref_slice %arg7[%add3A_67, %dma_start3A_80] : memref<16x64xi32, #tpu.memory_space<vmem>> -> memref<1x16xi32, #tpu.memory_space<vmem>>
        %dma_start3A_82 = tpu.memref_squeeze %dma_start3A_81 : memref<1x16xi32, #tpu.memory_space<vmem>> -> memref<16xi32, #tpu.memory_space<vmem>>
        %dma_start3A_83 = arith.constant 0 : i32
        %dma_start3A_84 = arith.constant 0 : i32
        %dma_start3A_85 = tpu.memref_slice %arg2[%dma_start3A_83, %dma_start3A_84] : memref<10000x128xf32, #tpu.memory_space<hbm>> -> memref<10000x128xf32, #tpu.memory_space<hbm>>
        tpu.enqueue_indirect_dma source(%dma_start3A_85 : memref<10000x128xf32, #tpu.memory_space<hbm>>) target(%dma_start3A_79 : memref<16x128xf32, #tpu.memory_space<vmem>>) offsets(%dma_start3A_82 : memref<16xi32, #tpu.memory_space<vmem>>) semaphore(%arg17 : memref<!tpu.dma_semaphore, #tpu.memory_space<semaphore_mem>>)
        %dma_start3A_86 = arith.constant 32 : i32
        %dma_start3A_87 = arith.constant 0 : i32
        %dma_start3A_88 = tpu.memref_slice %arg10[%dma_start3A_86, %dma_start3A_87] : memref<64x128xf32, #tpu.memory_space<vmem>> -> memref<16x128xf32, #tpu.memory_space<vmem>>
        %dma_start3A_89 = arith.constant 32 : i32
        %dma_start3A_90 = tpu.memref_slice %arg7[%add3A_67, %dma_start3A_89] : memref<16x64xi32, #tpu.memory_space<vmem>> -> memref<1x16xi32, #tpu.memory_space<vmem>>
        %dma_start3A_91 = tpu.memref_squeeze %dma_start3A_90 : memref<1x16xi32, #tpu.memory_space<vmem>> -> memref<16xi32, #tpu.memory_space<vmem>>
        %dma_start3A_92 = arith.constant 0 : i32
        %dma_start3A_93 = arith.constant 0 : i32
        %dma_start3A_94 = tpu.memref_slice %arg2[%dma_start3A_92, %dma_start3A_93] : memref<10000x128xf32, #tpu.memory_space<hbm>> -> memref<10000x128xf32, #tpu.memory_space<hbm>>
        tpu.enqueue_indirect_dma source(%dma_start3A_94 : memref<10000x128xf32, #tpu.memory_space<hbm>>) target(%dma_start3A_88 : memref<16x128xf32, #tpu.memory_space<vmem>>) offsets(%dma_start3A_91 : memref<16xi32, #tpu.memory_space<vmem>>) semaphore(%arg18 : memref<!tpu.dma_semaphore, #tpu.memory_space<semaphore_mem>>)
        %dma_start3A_95 = arith.constant 48 : i32
        %dma_start3A_96 = arith.constant 0 : i32
        %dma_start3A_97 = tpu.memref_slice %arg10[%dma_start3A_95, %dma_start3A_96] : memref<64x128xf32, #tpu.memory_space<vmem>> -> memref<16x128xf32, #tpu.memory_space<vmem>>
        %dma_start3A_98 = arith.constant 48 : i32
        %dma_start3A_99 = tpu.memref_slice %arg7[%add3A_67, %dma_start3A_98] : memref<16x64xi32, #tpu.memory_space<vmem>> -> memref<1x16xi32, #tpu.memory_space<vmem>>
        %dma_start3A_100 = tpu.memref_squeeze %dma_start3A_99 : memref<1x16xi32, #tpu.memory_space<vmem>> -> memref<16xi32, #tpu.memory_space<vmem>>
        %dma_start3A_101 = arith.constant 0 : i32
        %dma_start3A_102 = arith.constant 0 : i32
        %dma_start3A_103 = tpu.memref_slice %arg2[%dma_start3A_101, %dma_start3A_102] : memref<10000x128xf32, #tpu.memory_space<hbm>> -> memref<10000x128xf32, #tpu.memory_space<hbm>>
        tpu.enqueue_indirect_dma source(%dma_start3A_103 : memref<10000x128xf32, #tpu.memory_space<hbm>>) target(%dma_start3A_97 : memref<16x128xf32, #tpu.memory_space<vmem>>) offsets(%dma_start3A_100 : memref<16xi32, #tpu.memory_space<vmem>>) semaphore(%arg19 : memref<!tpu.dma_semaphore, #tpu.memory_space<semaphore_mem>>)
        %dma_wait3A = arith.constant 0 : i32
        %dma_wait3A_104 = arith.constant 0 : i32
        %dma_wait3A_105 = tpu.memref_slice %arg9[%dma_wait3A, %dma_wait3A_104] : memref<64x128xf32, #tpu.memory_space<vmem>> -> memref<16x128xf32, #tpu.memory_space<vmem>>
        %dma_wait3A_106 = arith.constant 0 : i32
        %dma_wait3A_107 = tpu.memref_slice %arg7[%mul3A_65, %dma_wait3A_106] : memref<16x64xi32, #tpu.memory_space<vmem>> -> memref<1x16xi32, #tpu.memory_space<vmem>>
        %dma_wait3A_108 = tpu.memref_squeeze %dma_wait3A_107 : memref<1x16xi32, #tpu.memory_space<vmem>> -> memref<16xi32, #tpu.memory_space<vmem>>
        %dma_wait3A_109 = arith.constant 0 : i32
        %dma_wait3A_110 = arith.constant 0 : i32
        %dma_wait3A_111 = tpu.memref_slice %arg2[%dma_wait3A_109, %dma_wait3A_110] : memref<10000x128xf32, #tpu.memory_space<hbm>> -> memref<10000x128xf32, #tpu.memory_space<hbm>>
        tpu.wait_indirect_dma semaphore(%arg12 : memref<!tpu.dma_semaphore, #tpu.memory_space<semaphore_mem>>) src(%dma_wait3A_111 : memref<10000x128xf32, #tpu.memory_space<hbm>>) dst(%dma_wait3A_105 : memref<16x128xf32, #tpu.memory_space<vmem>>)
        %dma_wait3A_112 = arith.constant 16 : i32
        %dma_wait3A_113 = arith.constant 0 : i32
        %dma_wait3A_114 = tpu.memref_slice %arg9[%dma_wait3A_112, %dma_wait3A_113] : memref<64x128xf32, #tpu.memory_space<vmem>> -> memref<16x128xf32, #tpu.memory_space<vmem>>
        %dma_wait3A_115 = arith.constant 16 : i32
        %dma_wait3A_116 = tpu.memref_slice %arg7[%mul3A_65, %dma_wait3A_115] : memref<16x64xi32, #tpu.memory_space<vmem>> -> memref<1x16xi32, #tpu.memory_space<vmem>>
        %dma_wait3A_117 = tpu.memref_squeeze %dma_wait3A_116 : memref<1x16xi32, #tpu.memory_space<vmem>> -> memref<16xi32, #tpu.memory_space<vmem>>
        %dma_wait3A_118 = arith.constant 0 : i32
        %dma_wait3A_119 = arith.constant 0 : i32
        %dma_wait3A_120 = tpu.memref_slice %arg2[%dma_wait3A_118, %dma_wait3A_119] : memref<10000x128xf32, #tpu.memory_space<hbm>> -> memref<10000x128xf32, #tpu.memory_space<hbm>>
        tpu.wait_indirect_dma semaphore(%arg13 : memref<!tpu.dma_semaphore, #tpu.memory_space<semaphore_mem>>) src(%dma_wait3A_120 : memref<10000x128xf32, #tpu.memory_space<hbm>>) dst(%dma_wait3A_114 : memref<16x128xf32, #tpu.memory_space<vmem>>)
        %dma_wait3A_121 = arith.constant 32 : i32
        %dma_wait3A_122 = arith.constant 0 : i32
        %dma_wait3A_123 = tpu.memref_slice %arg9[%dma_wait3A_121, %dma_wait3A_122] : memref<64x128xf32, #tpu.memory_space<vmem>> -> memref<16x128xf32, #tpu.memory_space<vmem>>
        %dma_wait3A_124 = arith.constant 32 : i32
        %dma_wait3A_125 = tpu.memref_slice %arg7[%mul3A_65, %dma_wait3A_124] : memref<16x64xi32, #tpu.memory_space<vmem>> -> memref<1x16xi32, #tpu.memory_space<vmem>>
        %dma_wait3A_126 = tpu.memref_squeeze %dma_wait3A_125 : memref<1x16xi32, #tpu.memory_space<vmem>> -> memref<16xi32, #tpu.memory_space<vmem>>
        %dma_wait3A_127 = arith.constant 0 : i32
        %dma_wait3A_128 = arith.constant 0 : i32
        %dma_wait3A_129 = tpu.memref_slice %arg2[%dma_wait3A_127, %dma_wait3A_128] : memref<10000x128xf32, #tpu.memory_space<hbm>> -> memref<10000x128xf32, #tpu.memory_space<hbm>>
        tpu.wait_indirect_dma semaphore(%arg14 : memref<!tpu.dma_semaphore, #tpu.memory_space<semaphore_mem>>) src(%dma_wait3A_129 : memref<10000x128xf32, #tpu.memory_space<hbm>>) dst(%dma_wait3A_123 : memref<16x128xf32, #tpu.memory_space<vmem>>)
        %dma_wait3A_130 = arith.constant 48 : i32
        %dma_wait3A_131 = arith.constant 0 : i32
        %dma_wait3A_132 = tpu.memref_slice %arg9[%dma_wait3A_130, %dma_wait3A_131] : memref<64x128xf32, #tpu.memory_space<vmem>> -> memref<16x128xf32, #tpu.memory_space<vmem>>
        %dma_wait3A_133 = arith.constant 48 : i32
        %dma_wait3A_134 = tpu.memref_slice %arg7[%mul3A_65, %dma_wait3A_133] : memref<16x64xi32, #tpu.memory_space<vmem>> -> memref<1x16xi32, #tpu.memory_space<vmem>>
        %dma_wait3A_135 = tpu.memref_squeeze %dma_wait3A_134 : memref<1x16xi32, #tpu.memory_space<vmem>> -> memref<16xi32, #tpu.memory_space<vmem>>
        %dma_wait3A_136 = arith.constant 0 : i32
        %dma_wait3A_137 = arith.constant 0 : i32
        %dma_wait3A_138 = tpu.memref_slice %arg2[%dma_wait3A_136, %dma_wait3A_137] : memref<10000x128xf32, #tpu.memory_space<hbm>> -> memref<10000x128xf32, #tpu.memory_space<hbm>>
        tpu.wait_indirect_dma semaphore(%arg15 : memref<!tpu.dma_semaphore, #tpu.memory_space<semaphore_mem>>) src(%dma_wait3A_138 : memref<10000x128xf32, #tpu.memory_space<hbm>>) dst(%dma_wait3A_132 : memref<16x128xf32, #tpu.memory_space<vmem>>)
        "tpu.region"() ({
          %run_scoped3A = tpu.sem_alloc : memref<!tpu.dma_semaphore, #tpu.memory_space<semaphore_mem>>
          %dma_start3A_183 = arith.constant 0 : i32
          %dma_start3A_184 = tpu.memref_slice %arg8[%mul3A_65, %dma_start3A_183] : memref<16x64xi32, #tpu.memory_space<vmem>> -> memref<1x64xi32, #tpu.memory_space<vmem>>
          %dma_start3A_185 = tpu.memref_squeeze %dma_start3A_184 : memref<1x64xi32, #tpu.memory_space<vmem>> -> memref<64xi32, #tpu.memory_space<vmem>>
          %dma_start3A_186 = arith.constant 0 : i32
          %dma_start3A_187 = arith.constant 0 : i32
          %dma_start3A_188 = tpu.memref_slice %arg11[%dma_start3A_186, %dma_start3A_187] : memref<10240x128xf32, #tpu.memory_space<vmem_shared>> -> memref<10240x128xf32, #tpu.memory_space<vmem_shared>>
          tpu.enqueue_indirect_dma source(%arg9 : memref<64x128xf32, #tpu.memory_space<vmem>>) target(%dma_start3A_188 : memref<10240x128xf32, #tpu.memory_space<vmem_shared>>) offsets(%dma_start3A_185 : memref<64xi32, #tpu.memory_space<vmem>>) semaphore(%run_scoped3A : memref<!tpu.dma_semaphore, #tpu.memory_space<semaphore_mem>>) {add = true}
          %dma_wait3A_189 = arith.constant 0 : i32
          %dma_wait3A_190 = tpu.memref_slice %arg8[%mul3A_65, %dma_wait3A_189] : memref<16x64xi32, #tpu.memory_space<vmem>> -> memref<1x64xi32, #tpu.memory_space<vmem>>
          %dma_wait3A_191 = tpu.memref_squeeze %dma_wait3A_190 : memref<1x64xi32, #tpu.memory_space<vmem>> -> memref<64xi32, #tpu.memory_space<vmem>>
          %dma_wait3A_192 = arith.constant 0 : i32
          %dma_wait3A_193 = arith.constant 0 : i32
          %dma_wait3A_194 = tpu.memref_slice %arg11[%dma_wait3A_192, %dma_wait3A_193] : memref<10240x128xf32, #tpu.memory_space<vmem_shared>> -> memref<10240x128xf32, #tpu.memory_space<vmem_shared>>
          tpu.wait_indirect_dma semaphore(%run_scoped3A : memref<!tpu.dma_semaphore, #tpu.memory_space<semaphore_mem>>) src(%arg9 : memref<64x128xf32, #tpu.memory_space<vmem>>) dst(%dma_wait3A_194 : memref<10240x128xf32, #tpu.memory_space<vmem_shared>>)
          tpu.yield
        }) : () -> ()
        %add3A_139 = arith.constant 1 : i32
        %add3A_140 = arith.addi %scan3A_63, %add3A_139 : i32
        %lt3A = arith.constant 8 : i32
        %lt3A_141 = arith.cmpi slt, %add3A_140, %lt3A : i32
        %convert_element_type3A = arith.extui %lt3A_141 : i1 to i32
        %cond3A = arith.constant 0 : i32
        %cond3A_142 = arith.cmpi ne, %convert_element_type3A, %cond3A : i32
        scf.if %cond3A_142 {
          %add3A_183 = arith.constant 2 : i32
          %add3A_184 = arith.addi %mul3A_65, %add3A_183 : i32
          %dma_start3A_185 = arith.constant 0 : i32
          %dma_start3A_186 = arith.constant 0 : i32
          %dma_start3A_187 = tpu.memref_slice %arg9[%dma_start3A_185, %dma_start3A_186] : memref<64x128xf32, #tpu.memory_space<vmem>> -> memref<16x128xf32, #tpu.memory_space<vmem>>
          %dma_start3A_188 = arith.constant 0 : i32
          %dma_start3A_189 = tpu.memref_slice %arg7[%add3A_184, %dma_start3A_188] : memref<16x64xi32, #tpu.memory_space<vmem>> -> memref<1x16xi32, #tpu.memory_space<vmem>>
          %dma_start3A_190 = tpu.memref_squeeze %dma_start3A_189 : memref<1x16xi32, #tpu.memory_space<vmem>> -> memref<16xi32, #tpu.memory_space<vmem>>
          %dma_start3A_191 = arith.constant 0 : i32
          %dma_start3A_192 = arith.constant 0 : i32
          %dma_start3A_193 = tpu.memref_slice %arg2[%dma_start3A_191, %dma_start3A_192] : memref<10000x128xf32, #tpu.memory_space<hbm>> -> memref<10000x128xf32, #tpu.memory_space<hbm>>
          tpu.enqueue_indirect_dma source(%dma_start3A_193 : memref<10000x128xf32, #tpu.memory_space<hbm>>) target(%dma_start3A_187 : memref<16x128xf32, #tpu.memory_space<vmem>>) offsets(%dma_start3A_190 : memref<16xi32, #tpu.memory_space<vmem>>) semaphore(%arg12 : memref<!tpu.dma_semaphore, #tpu.memory_space<semaphore_mem>>)
          %dma_start3A_194 = arith.constant 16 : i32
          %dma_start3A_195 = arith.constant 0 : i32
          %dma_start3A_196 = tpu.memref_slice %arg9[%dma_start3A_194, %dma_start3A_195] : memref<64x128xf32, #tpu.memory_space<vmem>> -> memref<16x128xf32, #tpu.memory_space<vmem>>
          %dma_start3A_197 = arith.constant 16 : i32
          %dma_start3A_198 = tpu.memref_slice %arg7[%add3A_184, %dma_start3A_197] : memref<16x64xi32, #tpu.memory_space<vmem>> -> memref<1x16xi32, #tpu.memory_space<vmem>>
          %dma_start3A_199 = tpu.memref_squeeze %dma_start3A_198 : memref<1x16xi32, #tpu.memory_space<vmem>> -> memref<16xi32, #tpu.memory_space<vmem>>
          %dma_start3A_200 = arith.constant 0 : i32
          %dma_start3A_201 = arith.constant 0 : i32
          %dma_start3A_202 = tpu.memref_slice %arg2[%dma_start3A_200, %dma_start3A_201] : memref<10000x128xf32, #tpu.memory_space<hbm>> -> memref<10000x128xf32, #tpu.memory_space<hbm>>
          tpu.enqueue_indirect_dma source(%dma_start3A_202 : memref<10000x128xf32, #tpu.memory_space<hbm>>) target(%dma_start3A_196 : memref<16x128xf32, #tpu.memory_space<vmem>>) offsets(%dma_start3A_199 : memref<16xi32, #tpu.memory_space<vmem>>) semaphore(%arg13 : memref<!tpu.dma_semaphore, #tpu.memory_space<semaphore_mem>>)
          %dma_start3A_203 = arith.constant 32 : i32
          %dma_start3A_204 = arith.constant 0 : i32
          %dma_start3A_205 = tpu.memref_slice %arg9[%dma_start3A_203, %dma_start3A_204] : memref<64x128xf32, #tpu.memory_space<vmem>> -> memref<16x128xf32, #tpu.memory_space<vmem>>
          %dma_start3A_206 = arith.constant 32 : i32
          %dma_start3A_207 = tpu.memref_slice %arg7[%add3A_184, %dma_start3A_206] : memref<16x64xi32, #tpu.memory_space<vmem>> -> memref<1x16xi32, #tpu.memory_space<vmem>>
          %dma_start3A_208 = tpu.memref_squeeze %dma_start3A_207 : memref<1x16xi32, #tpu.memory_space<vmem>> -> memref<16xi32, #tpu.memory_space<vmem>>
          %dma_start3A_209 = arith.constant 0 : i32
          %dma_start3A_210 = arith.constant 0 : i32
          %dma_start3A_211 = tpu.memref_slice %arg2[%dma_start3A_209, %dma_start3A_210] : memref<10000x128xf32, #tpu.memory_space<hbm>> -> memref<10000x128xf32, #tpu.memory_space<hbm>>
          tpu.enqueue_indirect_dma source(%dma_start3A_211 : memref<10000x128xf32, #tpu.memory_space<hbm>>) target(%dma_start3A_205 : memref<16x128xf32, #tpu.memory_space<vmem>>) offsets(%dma_start3A_208 : memref<16xi32, #tpu.memory_space<vmem>>) semaphore(%arg14 : memref<!tpu.dma_semaphore, #tpu.memory_space<semaphore_mem>>)
          %dma_start3A_212 = arith.constant 48 : i32
          %dma_start3A_213 = arith.constant 0 : i32
          %dma_start3A_214 = tpu.memref_slice %arg9[%dma_start3A_212, %dma_start3A_213] : memref<64x128xf32, #tpu.memory_space<vmem>> -> memref<16x128xf32, #tpu.memory_space<vmem>>
          %dma_start3A_215 = arith.constant 48 : i32
          %dma_start3A_216 = tpu.memref_slice %arg7[%add3A_184, %dma_start3A_215] : memref<16x64xi32, #tpu.memory_space<vmem>> -> memref<1x16xi32, #tpu.memory_space<vmem>>
          %dma_start3A_217 = tpu.memref_squeeze %dma_start3A_216 : memref<1x16xi32, #tpu.memory_space<vmem>> -> memref<16xi32, #tpu.memory_space<vmem>>
          %dma_start3A_218 = arith.constant 0 : i32
          %dma_start3A_219 = arith.constant 0 : i32
          %dma_start3A_220 = tpu.memref_slice %arg2[%dma_start3A_218, %dma_start3A_219] : memref<10000x128xf32, #tpu.memory_space<hbm>> -> memref<10000x128xf32, #tpu.memory_space<hbm>>
          tpu.enqueue_indirect_dma source(%dma_start3A_220 : memref<10000x128xf32, #tpu.memory_space<hbm>>) target(%dma_start3A_214 : memref<16x128xf32, #tpu.memory_space<vmem>>) offsets(%dma_start3A_217 : memref<16xi32, #tpu.memory_space<vmem>>) semaphore(%arg15 : memref<!tpu.dma_semaphore, #tpu.memory_space<semaphore_mem>>)
        } else {
        }
        %add3A_143 = arith.constant 1 : i32
        %add3A_144 = arith.addi %mul3A_65, %add3A_143 : i32
        %dma_wait3A_145 = arith.constant 0 : i32
        %dma_wait3A_146 = arith.constant 0 : i32
        %dma_wait3A_147 = tpu.memref_slice %arg10[%dma_wait3A_145, %dma_wait3A_146] : memref<64x128xf32, #tpu.memory_space<vmem>> -> memref<16x128xf32, #tpu.memory_space<vmem>>
        %dma_wait3A_148 = arith.constant 0 : i32
        %dma_wait3A_149 = tpu.memref_slice %arg7[%add3A_144, %dma_wait3A_148] : memref<16x64xi32, #tpu.memory_space<vmem>> -> memref<1x16xi32, #tpu.memory_space<vmem>>
        %dma_wait3A_150 = tpu.memref_squeeze %dma_wait3A_149 : memref<1x16xi32, #tpu.memory_space<vmem>> -> memref<16xi32, #tpu.memory_space<vmem>>
        %dma_wait3A_151 = arith.constant 0 : i32
        %dma_wait3A_152 = arith.constant 0 : i32
        %dma_wait3A_153 = tpu.memref_slice %arg2[%dma_wait3A_151, %dma_wait3A_152] : memref<10000x128xf32, #tpu.memory_space<hbm>> -> memref<10000x128xf32, #tpu.memory_space<hbm>>
        tpu.wait_indirect_dma semaphore(%arg16 : memref<!tpu.dma_semaphore, #tpu.memory_space<semaphore_mem>>) src(%dma_wait3A_153 : memref<10000x128xf32, #tpu.memory_space<hbm>>) dst(%dma_wait3A_147 : memref<16x128xf32, #tpu.memory_space<vmem>>)
        %dma_wait3A_154 = arith.constant 16 : i32
        %dma_wait3A_155 = arith.constant 0 : i32
        %dma_wait3A_156 = tpu.memref_slice %arg10[%dma_wait3A_154, %dma_wait3A_155] : memref<64x128xf32, #tpu.memory_space<vmem>> -> memref<16x128xf32, #tpu.memory_space<vmem>>
        %dma_wait3A_157 = arith.constant 16 : i32
        %dma_wait3A_158 = tpu.memref_slice %arg7[%add3A_144, %dma_wait3A_157] : memref<16x64xi32, #tpu.memory_space<vmem>> -> memref<1x16xi32, #tpu.memory_space<vmem>>
        %dma_wait3A_159 = tpu.memref_squeeze %dma_wait3A_158 : memref<1x16xi32, #tpu.memory_space<vmem>> -> memref<16xi32, #tpu.memory_space<vmem>>
        %dma_wait3A_160 = arith.constant 0 : i32
        %dma_wait3A_161 = arith.constant 0 : i32
        %dma_wait3A_162 = tpu.memref_slice %arg2[%dma_wait3A_160, %dma_wait3A_161] : memref<10000x128xf32, #tpu.memory_space<hbm>> -> memref<10000x128xf32, #tpu.memory_space<hbm>>
        tpu.wait_indirect_dma semaphore(%arg17 : memref<!tpu.dma_semaphore, #tpu.memory_space<semaphore_mem>>) src(%dma_wait3A_162 : memref<10000x128xf32, #tpu.memory_space<hbm>>) dst(%dma_wait3A_156 : memref<16x128xf32, #tpu.memory_space<vmem>>)
        %dma_wait3A_163 = arith.constant 32 : i32
        %dma_wait3A_164 = arith.constant 0 : i32
        %dma_wait3A_165 = tpu.memref_slice %arg10[%dma_wait3A_163, %dma_wait3A_164] : memref<64x128xf32, #tpu.memory_space<vmem>> -> memref<16x128xf32, #tpu.memory_space<vmem>>
        %dma_wait3A_166 = arith.constant 32 : i32
        %dma_wait3A_167 = tpu.memref_slice %arg7[%add3A_144, %dma_wait3A_166] : memref<16x64xi32, #tpu.memory_space<vmem>> -> memref<1x16xi32, #tpu.memory_space<vmem>>
        %dma_wait3A_168 = tpu.memref_squeeze %dma_wait3A_167 : memref<1x16xi32, #tpu.memory_space<vmem>> -> memref<16xi32, #tpu.memory_space<vmem>>
        %dma_wait3A_169 = arith.constant 0 : i32
        %dma_wait3A_170 = arith.constant 0 : i32
        %dma_wait3A_171 = tpu.memref_slice %arg2[%dma_wait3A_169, %dma_wait3A_170] : memref<10000x128xf32, #tpu.memory_space<hbm>> -> memref<10000x128xf32, #tpu.memory_space<hbm>>
        tpu.wait_indirect_dma semaphore(%arg18 : memref<!tpu.dma_semaphore, #tpu.memory_space<semaphore_mem>>) src(%dma_wait3A_171 : memref<10000x128xf32, #tpu.memory_space<hbm>>) dst(%dma_wait3A_165 : memref<16x128xf32, #tpu.memory_space<vmem>>)
        %dma_wait3A_172 = arith.constant 48 : i32
        %dma_wait3A_173 = arith.constant 0 : i32
        %dma_wait3A_174 = tpu.memref_slice %arg10[%dma_wait3A_172, %dma_wait3A_173] : memref<64x128xf32, #tpu.memory_space<vmem>> -> memref<16x128xf32, #tpu.memory_space<vmem>>
        %dma_wait3A_175 = arith.constant 48 : i32
        %dma_wait3A_176 = tpu.memref_slice %arg7[%add3A_144, %dma_wait3A_175] : memref<16x64xi32, #tpu.memory_space<vmem>> -> memref<1x16xi32, #tpu.memory_space<vmem>>
        %dma_wait3A_177 = tpu.memref_squeeze %dma_wait3A_176 : memref<1x16xi32, #tpu.memory_space<vmem>> -> memref<16xi32, #tpu.memory_space<vmem>>
        %dma_wait3A_178 = arith.constant 0 : i32
        %dma_wait3A_179 = arith.constant 0 : i32
        %dma_wait3A_180 = tpu.memref_slice %arg2[%dma_wait3A_178, %dma_wait3A_179] : memref<10000x128xf32, #tpu.memory_space<hbm>> -> memref<10000x128xf32, #tpu.memory_space<hbm>>
        tpu.wait_indirect_dma semaphore(%arg19 : memref<!tpu.dma_semaphore, #tpu.memory_space<semaphore_mem>>) src(%dma_wait3A_180 : memref<10000x128xf32, #tpu.memory_space<hbm>>) dst(%dma_wait3A_174 : memref<16x128xf32, #tpu.memory_space<vmem>>)
        %add3A_181 = arith.constant 1 : i32
        %add3A_182 = arith.addi %mul3A_65, %add3A_181 : i32
        "tpu.region"() ({
          %run_scoped3A = tpu.sem_alloc : memref<!tpu.dma_semaphore, #tpu.memory_space<semaphore_mem>>
          %dma_start3A_183 = arith.constant 0 : i32
          %dma_start3A_184 = tpu.memref_slice %arg8[%add3A_182, %dma_start3A_183] : memref<16x64xi32, #tpu.memory_space<vmem>> -> memref<1x64xi32, #tpu.memory_space<vmem>>
          %dma_start3A_185 = tpu.memref_squeeze %dma_start3A_184 : memref<1x64xi32, #tpu.memory_space<vmem>> -> memref<64xi32, #tpu.memory_space<vmem>>
          %dma_start3A_186 = arith.constant 0 : i32
          %dma_start3A_187 = arith.constant 0 : i32
          %dma_start3A_188 = tpu.memref_slice %arg11[%dma_start3A_186, %dma_start3A_187] : memref<10240x128xf32, #tpu.memory_space<vmem_shared>> -> memref<10240x128xf32, #tpu.memory_space<vmem_shared>>
          tpu.enqueue_indirect_dma source(%arg10 : memref<64x128xf32, #tpu.memory_space<vmem>>) target(%dma_start3A_188 : memref<10240x128xf32, #tpu.memory_space<vmem_shared>>) offsets(%dma_start3A_185 : memref<64xi32, #tpu.memory_space<vmem>>) semaphore(%run_scoped3A : memref<!tpu.dma_semaphore, #tpu.memory_space<semaphore_mem>>) {add = true}
          %dma_wait3A_189 = arith.constant 0 : i32
          %dma_wait3A_190 = tpu.memref_slice %arg8[%add3A_182, %dma_wait3A_189] : memref<16x64xi32, #tpu.memory_space<vmem>> -> memref<1x64xi32, #tpu.memory_space<vmem>>
          %dma_wait3A_191 = tpu.memref_squeeze %dma_wait3A_190 : memref<1x64xi32, #tpu.memory_space<vmem>> -> memref<64xi32, #tpu.memory_space<vmem>>
          %dma_wait3A_192 = arith.constant 0 : i32
          %dma_wait3A_193 = arith.constant 0 : i32
          %dma_wait3A_194 = tpu.memref_slice %arg11[%dma_wait3A_192, %dma_wait3A_193] : memref<10240x128xf32, #tpu.memory_space<vmem_shared>> -> memref<10240x128xf32, #tpu.memory_space<vmem_shared>>
          tpu.wait_indirect_dma semaphore(%run_scoped3A : memref<!tpu.dma_semaphore, #tpu.memory_space<semaphore_mem>>) src(%arg10 : memref<64x128xf32, #tpu.memory_space<vmem>>) dst(%dma_wait3A_194 : memref<10240x128xf32, #tpu.memory_space<vmem_shared>>)
          tpu.yield
        }) : () -> ()
      }
      %scan3A_62 = arith.constant 8 : i32
    }
    %scan3A_9 = arith.constant 10 : i32
    %barrier3A_10 = arith.constant 0 : index
    tpu.barrier barrier_id(%barrier3A_10)
    "tpu.region"() ({
      %run_scoped3A = tpu.sem_alloc : memref<!tpu.dma_semaphore, #tpu.memory_space<semaphore_mem>>
      %dma_start3A = arith.constant 0 : i32
      %dma_start3A_11 = tpu.memref_slice %arg6[%arg0, %mul3A_2, %dma_start3A] : memref<2x10240x128xf32, #tpu.memory_space<hbm>> -> memref<1x640x128xf32, #tpu.memory_space<hbm>>
      %dma_start3A_12 = tpu.memref_squeeze %dma_start3A_11 : memref<1x640x128xf32, #tpu.memory_space<hbm>> -> memref<640x128xf32, #tpu.memory_space<hbm>>
      %dma_start3A_13 = arith.constant 0 : i32
      %dma_start3A_14 = tpu.memref_slice %arg11[%mul3A_2, %dma_start3A_13] : memref<10240x128xf32, #tpu.memory_space<vmem_shared>> -> memref<640x128xf32, #tpu.memory_space<vmem_shared>>
      tpu.enqueue_dma source(%dma_start3A_14 : memref<640x128xf32, #tpu.memory_space<vmem_shared>>) target(%dma_start3A_12 : memref<640x128xf32, #tpu.memory_space<hbm>>) target_semaphore(%run_scoped3A : memref<!tpu.dma_semaphore, #tpu.memory_space<semaphore_mem>>)
      %dma_wait3A = arith.constant 0 : i32
      %dma_wait3A_15 = tpu.memref_slice %arg6[%arg0, %mul3A_2, %dma_wait3A] : memref<2x10240x128xf32, #tpu.memory_space<hbm>> -> memref<1x640x128xf32, #tpu.memory_space<hbm>>
      %dma_wait3A_16 = tpu.memref_squeeze %dma_wait3A_15 : memref<1x640x128xf32, #tpu.memory_space<hbm>> -> memref<640x128xf32, #tpu.memory_space<hbm>>
      %dma_wait3A_17 = arith.constant 0 : i32
      %dma_wait3A_18 = tpu.memref_slice %arg11[%mul3A_2, %dma_wait3A_17] : memref<10240x128xf32, #tpu.memory_space<vmem_shared>> -> memref<640x128xf32, #tpu.memory_space<vmem_shared>>
      tpu.wait_dma2 semaphore(%run_scoped3A : memref<!tpu.dma_semaphore, #tpu.memory_space<semaphore_mem>>) src(%dma_wait3A_18 : memref<640x128xf32, #tpu.memory_space<vmem_shared>>) dst(%dma_wait3A_16 : memref<640x128xf32, #tpu.memory_space<hbm>>)
      tpu.yield
    }) : () -> ()
    return
  }
}

module attributes {stable_mosaic.version = 14 : i64} {
  func.func @_tc_body(%arg0: i32, %arg1: memref<2x1000x128xf32, #tpu.memory_space<vmem>>, %arg2: memref<1000x128xf32, #tpu.memory_space<vmem>>, %arg3: memref<2x1000x128xf32, #tpu.memory_space<vmem>>, %arg4: memref<128x128xf32, #tpu.memory_space<vmem>>, %arg5: memref<1x128xf32, #tpu.memory_space<vmem>>, %arg6: memref<1000x128xf32, #tpu.memory_space<vmem>>) attributes {dimension_semantics = [#tpu.dimension_semantics<arbitrary>], iteration_bounds = array<i64: 10>, scalar_prefetch = 0 : i64, scratch_operands = 0 : i64, tpu.core_type = #tpu.core_type<tc>, window_params = [{transform_indices = @transform_0, window_bounds = array<i64: 2, 1000, 128>}, {transform_indices = @transform_1, window_bounds = array<i64: 1000, 128>}, {transform_indices = @transform_2, window_bounds = array<i64: 2, 1000, 128>}, {pipeline_mode = #tpu.pipeline_mode<synchronous>, transform_indices = @transform_3, window_bounds = array<i64: 128, 128>}, {pipeline_mode = #tpu.pipeline_mode<synchronous>, transform_indices = @transform_4, window_bounds = array<i64: 1, 128>}, {transform_indices = @transform_5, window_bounds = array<i64: 1000, 128>}]} {
    %get3A = arith.constant 0 : index
    %get3A_0 = arith.constant 0 : index
    %get3A_1 = arith.constant 0 : index
    %get3A_2 = vector.load %arg1[%get3A, %get3A_0, %get3A_1] : memref<2x1000x128xf32, #tpu.memory_space<vmem>>, vector<1x1000x128xf32>
    %get3A_3 = vector.shape_cast %get3A_2 : vector<1x1000x128xf32> to vector<1000x128xf32>
    %get3A_4 = arith.constant 1 : index
    %get3A_5 = arith.constant 0 : index
    %get3A_6 = arith.constant 0 : index
    %get3A_7 = vector.load %arg1[%get3A_4, %get3A_5, %get3A_6] : memref<2x1000x128xf32, #tpu.memory_space<vmem>>, vector<1x1000x128xf32>
    %get3A_8 = vector.shape_cast %get3A_7 : vector<1x1000x128xf32> to vector<1000x128xf32>
    %add3A = arith.addf %get3A_3, %get3A_8 : vector<1000x128xf32>
    %get3A_9 = arith.constant 0 : index
    %get3A_10 = arith.constant 0 : index
    %get3A_11 = vector.load %arg2[%get3A_9, %get3A_10] : memref<1000x128xf32, #tpu.memory_space<vmem>>, vector<1000x128xf32>
    %add3A_12 = arith.addf %add3A, %get3A_11 : vector<1000x128xf32>
    %get3A_13 = arith.constant 0 : index
    %get3A_14 = arith.constant 0 : index
    %get3A_15 = arith.constant 0 : index
    %get3A_16 = vector.load %arg3[%get3A_13, %get3A_14, %get3A_15] : memref<2x1000x128xf32, #tpu.memory_space<vmem>>, vector<1x1000x1xf32>
    %get3A_17 = vector.shape_cast %get3A_16 : vector<1x1000x1xf32> to vector<1000x1xf32>
    %get3A_18 = arith.constant 1 : index
    %get3A_19 = arith.constant 0 : index
    %get3A_20 = arith.constant 0 : index
    %get3A_21 = vector.load %arg3[%get3A_18, %get3A_19, %get3A_20] : memref<2x1000x128xf32, #tpu.memory_space<vmem>>, vector<1x1000x1xf32>
    %get3A_22 = vector.shape_cast %get3A_21 : vector<1x1000x1xf32> to vector<1000x1xf32>
    %add3A_23 = arith.addf %get3A_17, %get3A_22 : vector<1000x1xf32>
    %add3A_24 = arith.constant 1.000000e+00 : f32
    %add3A_25 = vector.broadcast %add3A_24 : f32 to vector<1000x1xf32>
    %add3A_26 = arith.addf %add3A_23, %add3A_25 : vector<1000x1xf32>
    %div3A = vector.broadcast %add3A_26 : vector<1000x1xf32> to vector<1000x128xf32>
    %div3A_27 = arith.divf %add3A_12, %div3A : vector<1000x128xf32>
    %get3A_28 = arith.constant 0 : index
    %get3A_29 = arith.constant 0 : index
    %get3A_30 = vector.load %arg4[%get3A_28, %get3A_29] : memref<128x128xf32, #tpu.memory_space<vmem>>, vector<128x128xf32>
    %dot_general3A = arith.constant dense<0.000000e+00> : vector<1000x128xf32>
    %dot_general3A_31 = tpu.matmul %div3A_27, %get3A_30, %dot_general3A {dimension_numbers = #tpu.dot_dimension_numbers<[1], [0], [0], [1], [0, 0, 1, 1], [], []>, transpose_lhs_hint = false} : vector<1000x128xf32>, vector<128x128xf32>, vector<1000x128xf32> -> vector<1000x128xf32>
    %get3A_32 = arith.constant 0 : index
    %get3A_33 = arith.constant 0 : index
    %get3A_34 = vector.load %arg5[%get3A_32, %get3A_33] : memref<1x128xf32, #tpu.memory_space<vmem>>, vector<1x128xf32>
    %add3A_35 = vector.broadcast %get3A_34 : vector<1x128xf32> to vector<1000x128xf32>
    %add3A_36 = arith.addf %dot_general3A_31, %add3A_35 : vector<1000x128xf32>
    %max3A = arith.constant 0.000000e+00 : f32
    %max3A_37 = vector.broadcast %max3A : f32 to vector<1000x128xf32>
    %max3A_38 = arith.maximumf %add3A_36, %max3A_37 : vector<1000x128xf32>
    %swap3A = arith.constant 0 : index
    %swap3A_39 = arith.constant 0 : index
    %swap3A_40 = vector.load %arg6[%swap3A, %swap3A_39] : memref<1000x128xf32, #tpu.memory_space<vmem>>, vector<1000x128xf32>
    tpu.vector_store %arg6[%swap3A, %swap3A_39], %max3A_38 {strides = array<i32>} : memref<1000x128xf32, #tpu.memory_space<vmem>>, vector<1000x128xf32>,
    return
  }
  func.func @transform_0(%arg0: i32) -> (i32, i32, i32) {
    %c0_i32 = arith.constant 0 : i32
    %c0_i32_0 = arith.constant 0 : i32
    %c0_i32_1 = arith.constant 0 : i32
    return %c0_i32, %arg0, %c0_i32_0 : i32, i32, i32
  }
  func.func @transform_1(%arg0: i32) -> (i32, i32) {
    %c0_i32 = arith.constant 0 : i32
    %c0_i32_0 = arith.constant 0 : i32
    return %arg0, %c0_i32 : i32, i32
  }
  func.func @transform_2(%arg0: i32) -> (i32, i32, i32) {
    %c0_i32 = arith.constant 0 : i32
    %c0_i32_0 = arith.constant 0 : i32
    %c0_i32_1 = arith.constant 0 : i32
    return %c0_i32, %arg0, %c0_i32_0 : i32, i32, i32
  }
  func.func @transform_3(%arg0: i32) -> (i32, i32) {
    %c0_i32 = arith.constant 0 : i32
    %c0_i32_0 = arith.constant 0 : i32
    %c0_i32_1 = arith.constant 0 : i32
    return %c0_i32, %c0_i32_0 : i32, i32
  }
  func.func @transform_4(%arg0: i32) -> (i32, i32) {
    %c0_i32 = arith.constant 0 : i32
    %c0_i32_0 = arith.constant 0 : i32
    %c0_i32_1 = arith.constant 0 : i32
    return %c0_i32, %c0_i32_0 : i32, i32
  }
  func.func @transform_5(%arg0: i32) -> (i32, i32) {
    %c0_i32 = arith.constant 0 : i32
    %c0_i32_0 = arith.constant 0 : i32
    return %arg0, %c0_i32 : i32, i32
  }
}

module attributes {stable_mosaic.version = 14 : i64} {
  func.func @_tc_body(%arg0: i32, %arg1: memref<2x1000x128xf32, #tpu.memory_space<vmem>>, %arg2: memref<1000x128xf32, #tpu.memory_space<vmem>>, %arg3: memref<2x1000x128xf32, #tpu.memory_space<vmem>>, %arg4: memref<128x128xf32, #tpu.memory_space<vmem>>, %arg5: memref<1x128xf32, #tpu.memory_space<vmem>>, %arg6: memref<1000x128xf32, #tpu.memory_space<vmem>>) attributes {dimension_semantics = [#tpu.dimension_semantics<arbitrary>], iteration_bounds = array<i64: 10>, scalar_prefetch = 0 : i64, scratch_operands = 0 : i64, tpu.core_type = #tpu.core_type<tc>, window_params = [{transform_indices = @transform_0, window_bounds = array<i64: 2, 1000, 128>}, {transform_indices = @transform_1, window_bounds = array<i64: 1000, 128>}, {transform_indices = @transform_2, window_bounds = array<i64: 2, 1000, 128>}, {pipeline_mode = #tpu.pipeline_mode<synchronous>, transform_indices = @transform_3, window_bounds = array<i64: 128, 128>}, {pipeline_mode = #tpu.pipeline_mode<synchronous>, transform_indices = @transform_4, window_bounds = array<i64: 1, 128>}, {transform_indices = @transform_5, window_bounds = array<i64: 1000, 128>}]} {
    %get3A = arith.constant 0 : index
    %get3A_0 = arith.constant 0 : index
    %get3A_1 = arith.constant 0 : index
    %get3A_2 = vector.load %arg1[%get3A, %get3A_0, %get3A_1] : memref<2x1000x128xf32, #tpu.memory_space<vmem>>, vector<1x1000x128xf32>
    %get3A_3 = vector.shape_cast %get3A_2 : vector<1x1000x128xf32> to vector<1000x128xf32>
    %get3A_4 = arith.constant 1 : index
    %get3A_5 = arith.constant 0 : index
    %get3A_6 = arith.constant 0 : index
    %get3A_7 = vector.load %arg1[%get3A_4, %get3A_5, %get3A_6] : memref<2x1000x128xf32, #tpu.memory_space<vmem>>, vector<1x1000x128xf32>
    %get3A_8 = vector.shape_cast %get3A_7 : vector<1x1000x128xf32> to vector<1000x128xf32>
    %add3A = arith.addf %get3A_3, %get3A_8 : vector<1000x128xf32>
    %get3A_9 = arith.constant 0 : index
    %get3A_10 = arith.constant 0 : index
    %get3A_11 = vector.load %arg2[%get3A_9, %get3A_10] : memref<1000x128xf32, #tpu.memory_space<vmem>>, vector<1000x128xf32>
    %add3A_12 = arith.addf %add3A, %get3A_11 : vector<1000x128xf32>
    %get3A_13 = arith.constant 0 : index
    %get3A_14 = arith.constant 0 : index
    %get3A_15 = arith.constant 0 : index
    %get3A_16 = vector.load %arg3[%get3A_13, %get3A_14, %get3A_15] : memref<2x1000x128xf32, #tpu.memory_space<vmem>>, vector<1x1000x1xf32>
    %get3A_17 = vector.shape_cast %get3A_16 : vector<1x1000x1xf32> to vector<1000x1xf32>
    %get3A_18 = arith.constant 1 : index
    %get3A_19 = arith.constant 0 : index
    %get3A_20 = arith.constant 0 : index
    %get3A_21 = vector.load %arg3[%get3A_18, %get3A_19, %get3A_20] : memref<2x1000x128xf32, #tpu.memory_space<vmem>>, vector<1x1000x1xf32>
    %get3A_22 = vector.shape_cast %get3A_21 : vector<1x1000x1xf32> to vector<1000x1xf32>
    %add3A_23 = arith.addf %get3A_17, %get3A_22 : vector<1000x1xf32>
    %add3A_24 = arith.constant 1.000000e+00 : f32
    %add3A_25 = vector.broadcast %add3A_24 : f32 to vector<1000x1xf32>
    %add3A_26 = arith.addf %add3A_23, %add3A_25 : vector<1000x1xf32>
    %div3A = vector.broadcast %add3A_26 : vector<1000x1xf32> to vector<1000x128xf32>
    %div3A_27 = arith.divf %add3A_12, %div3A : vector<1000x128xf32>
    %get3A_28 = arith.constant 0 : index
    %get3A_29 = arith.constant 0 : index
    %get3A_30 = vector.load %arg4[%get3A_28, %get3A_29] : memref<128x128xf32, #tpu.memory_space<vmem>>, vector<128x128xf32>
    %dot_general3A = arith.constant dense<0.000000e+00> : vector<1000x128xf32>
    %dot_general3A_31 = tpu.matmul %div3A_27, %get3A_30, %dot_general3A {dimension_numbers = #tpu.dot_dimension_numbers<[1], [0], [0], [1], [0, 0, 1, 1], [], []>, transpose_lhs_hint = false} : vector<1000x128xf32>, vector<128x128xf32>, vector<1000x128xf32> -> vector<1000x128xf32>
    %get3A_32 = arith.constant 0 : index
    %get3A_33 = arith.constant 0 : index
    %get3A_34 = vector.load %arg5[%get3A_32, %get3A_33] : memref<1x128xf32, #tpu.memory_space<vmem>>, vector<1x128xf32>
    %add3A_35 = vector.broadcast %get3A_34 : vector<1x128xf32> to vector<1000x128xf32>
    %add3A_36 = arith.addf %dot_general3A_31, %add3A_35 : vector<1000x128xf32>
    %swap3A = arith.constant 0 : index
    %swap3A_37 = arith.constant 0 : index
    %swap3A_38 = vector.load %arg6[%swap3A, %swap3A_37] : memref<1000x128xf32, #tpu.memory_space<vmem>>, vector<1000x128xf32>
    tpu.vector_store %arg6[%swap3A, %swap3A_37], %add3A_36 {strides = array<i32>} : memref<1000x128xf32, #tpu.memory_space<vmem>>, vector<1000x128xf32>,
    return
  }
  func.func @transform_0(%arg0: i32) -> (i32, i32, i32) {
    %c0_i32 = arith.constant 0 : i32
    %c0_i32_0 = arith.constant 0 : i32
    %c0_i32_1 = arith.constant 0 : i32
    return %c0_i32, %arg0, %c0_i32_0 : i32, i32, i32
  }
  func.func @transform_1(%arg0: i32) -> (i32, i32) {
    %c0_i32 = arith.constant 0 : i32
    %c0_i32_0 = arith.constant 0 : i32
    return %arg0, %c0_i32 : i32, i32
  }
  func.func @transform_2(%arg0: i32) -> (i32, i32, i32) {
    %c0_i32 = arith.constant 0 : i32
    %c0_i32_0 = arith.constant 0 : i32
    %c0_i32_1 = arith.constant 0 : i32
    return %c0_i32, %arg0, %c0_i32_0 : i32, i32, i32
  }
  func.func @transform_3(%arg0: i32) -> (i32, i32) {
    %c0_i32 = arith.constant 0 : i32
    %c0_i32_0 = arith.constant 0 : i32
    %c0_i32_1 = arith.constant 0 : i32
    return %c0_i32, %c0_i32_0 : i32, i32
  }
  func.func @transform_4(%arg0: i32) -> (i32, i32) {
    %c0_i32 = arith.constant 0 : i32
    %c0_i32_0 = arith.constant 0 : i32
    %c0_i32_1 = arith.constant 0 : i32
    return %c0_i32, %c0_i32_0 : i32, i32
  }
  func.func @transform_5(%arg0: i32) -> (i32, i32) {
    %c0_i32 = arith.constant 0 : i32
    %c0_i32_0 = arith.constant 0 : i32
    return %arg0, %c0_i32 : i32, i32
  }
}

</mosaic_0001>

<sc_bundles>
// kernel: kernel.10.cloned.1.call-start
scs
__scs_entry_jumppad:
0x0: {  	(pc) =	sbr.rel $0x88, $3  }
0x1: {  	(tag) =	ssettag $0x0;
	lr =	simm.s32 $0x1  }
0x2: {  	[smem:$0x3F9B] =	sst lr;
	_ =	strace $0xD0000000  }
0x3: {  	_ = 	snop  }
0x4: {  	_ = 	snop  }
0x5: {  	_ = 	snop  }
0x6: {  	_ = 	snop  }
0x7: {  	_ = 	snop  }
__scs_overlays_trampoline_lowered:
0x8: {  	[smem:$0x3FAA] =	sst s0  }
0x9: {  	[smem:$0x3FAB] =	sst s1  }
0xa: {  	[smem:$0x3FAC] =	sst s2  }
0xb: {  	[smem:$0x3FAD] =	sst s3  }
0xc: {  	[smem:$0x3FAE] =	sst s4  }
0xd: {  	[smem:$0x3FAF] =	sst s5  }
0xe: {  	[smem:$0x3FB0] =	sst s6  }
0xf: {  	[smem:$0x3FB1] =	sst s7  }
0x10: {  	[smem:$0x3FB2] =	sst s8  }
0x11: {  	[smem:$0x3FB3] =	sst s9;
	s0 =	simm.s32 @!p0 $0x0  }
0x12: {  	s1 =	sld [smem:$0x3F99];
	s0 =	simm.s32 @p0 $0x1  }
0x13: {  	[smem:$0x3FB4] =	sst s0;
	s0 =	simm.s32 @!p1 $0x0  }
0x14: {  	s2 =	sld [smem:$0x3F98];
	s0 =	simm.s32 @p1 $0x1  }
0x15: {  	[smem:$0x3FB5] =	sst s0;
	s0 =	simm.s32 @!p2 $0x0  }
0x16: {  	s3 =	sld [smem:$0x3FDB];
	s0 =	simm.s32 @p2 $0x1  }
0x17: {  	s4 =	simm.s32 $0x1BF5;
	[smem:$0x3FB7] =	sst s0  }
0x18: {  	s0 =	sld [smem:$0x3F9A];
	_ =	swait.ge [sflag:s4], $0x0  }
0x19: {  	s7 =	sld [smem:$0x3F9B]  }
0x1a: {  	s8 =	sadd.s32 $0xFFFFE003, lr  }
0x1b: {  	s9 =	sadd.s32 $0xFFFFFEF7, lr;
	s5 =	simm.s32 $0xFFFFFFFF;
	p2 =	slt.u32 s8, $0xFFFFF086  }
0x1c: {  	p1 =	slt.u32 s9, $0xF7A;
	s5 =	simm.s32 @!p2 $0x0  }
0x1d: {  	s5 =	simm.s32 @p1 $0x1;
	p0 =	seq.s32 s7, s2  }
0x1e: {  	s7 =	smul.u32 @!p0 $0xF7A, s2;
	p2 =	seq.s32 @!p0 s5, $0x0  }
0x1f: {  	s9 =	smul.u32 $0xF7A, s1;
	s8 =	simm.s32 @!p0 $0x1BF5;
	p2 =	por !p2, p0  }
0x20: {  	[sflag:s8] =	ssyncset.s32 @!p0 $0xFFFFF086;
	s6 =	sadd.s32 @!p0 s3, s7;
	s7 =	simm.s32 @!p0 $0x108  }
0x21: {  	s3 =	sadd.s32 s3, s9;
	s6 =	sadd.s32 @!p0 $0x88, s6;
	s7 =	simm.s32 @p2 $0x1082  }
0x22: {  	[simem:s7], [sflag:s8] =	dma.local @!p0 [hbm:s6], $0xF7A  }
0x23: {  	s9 =	sor.u32 $0xD0000000, s2;
	s6 =	simm.s32 $0x108;
	_ =	swait.ge @!p0 [sflag:s8], $0x0  }
0x24: {  	s3 =	sadd.s32 $0x88, s3;
	s6 =	simm.s32 @!p1 $0x1082;
	[sflag:s4] =	ssyncset.s32 $0xFFFFF086  }
0x25: {  	[simem:s6], [sflag:s4] =	dma.local [hbm:s3], $0xF7A  }
0x26: {  	[smem:$0x3F9B] =	sst s1;
	(tag) =	ssettag s2;
	_ =	strace s9  }
0x27: {  	s1 =	sld [smem:$0x3FAB]  }
0x28: {  	s2 =	sld [smem:$0x3FAC]  }
0x29: {  	s4 =	sld [smem:$0x3FAE]  }
0x2a: {  	p0 =	seq.s32 s5, $0x0;
	s5 =	sld [smem:$0x3FAF]  }
0x2b: {  	s6 =	sld [smem:$0x3FB0]  }
0x2c: {  	s7 =	sld [smem:$0x3FB1]  }
0x2d: {  	s3 =	simm.s32 $0x108;
	s8 =	sld [smem:$0x3FB2]  }
0x2e: {  	s3 =	simm.s32 @!p0 $0x1082;
	s9 =	sld [smem:$0x3FB3]  }
0x2f: {  	lr =	sadd.s32 s0, s3;
	s0 =	sld [smem:$0x3FAA]  }
0x30: {  	s3 =	sld [smem:$0x3FAD]  }
0x31: {  	[smem:$0x3FB6] =	sst s10  }
0x32: {  	s10 =	sld [smem:$0x3FB4];
	_ =	sdelay $0x3  }
0x33: {  	p0 =	seq.s32 s10, $0x1;
	s10 =	sld [smem:$0x3FB6];
	_ =	sdelay $0x3  }
0x34: {  	[smem:$0x3FB6] =	sst s10  }
0x35: {  	s10 =	sld [smem:$0x3FB5];
	_ =	sdelay $0x3  }
0x36: {  	p1 =	seq.s32 s10, $0x1;
	s10 =	sld [smem:$0x3FB6];
	_ =	sdelay $0x3  }
0x37: {  	[smem:$0x3FB6] =	sst s10  }
0x38: {  	s10 =	sld [smem:$0x3FB7]  }
0x39: {  	_ = 	snop;
	(pc) =	sbr.ind lr, $3  }
0x3a: {  	_ = 	snop  }
0x3b: {  	_ = 	snop  }
0x3c: {  	p2 =	seq.s32 s10, $0x1;
	s10 =	sld [smem:$0x3FB6]  }
0x3d: {  	_ =	shalt  }
0x3e: {  	_ =	shalt  }
0x3f: {  	_ =	shalt  }
0x40: {  	_ =	shalt  }
0x41: {  	_ =	shalt  }
0x42: {  	_ =	shalt  }
0x43: {  	_ =	shalt  }
0x44: {  	_ =	shalt  }
0x45: {  	_ =	shalt  }
0x46: {  	_ =	shalt  }
0x47: {  	_ =	shalt  }
0x48: {  	_ =	shalt  }
0x49: {  	_ =	shalt  }
0x4a: {  	_ =	shalt  }
0x4b: {  	_ =	shalt  }
0x4c: {  	_ =	shalt  }
0x4d: {  	_ =	shalt  }
0x4e: {  	_ =	shalt  }
0x4f: {  	_ =	shalt  }
0x50: {  	_ =	shalt  }
0x51: {  	_ =	shalt  }
0x52: {  	_ =	shalt  }
0x53: {  	_ =	shalt  }
0x54: {  	_ =	shalt  }
0x55: {  	_ =	shalt  }
0x56: {  	_ =	shalt  }
0x57: {  	_ =	shalt  }
0x58: {  	_ =	shalt  }
0x59: {  	_ =	shalt  }
0x5a: {  	_ =	shalt  }
0x5b: {  	_ =	shalt  }
0x5c: {  	_ =	shalt  }
0x5d: {  	_ =	shalt  }
0x5e: {  	_ =	shalt  }
0x5f: {  	_ =	shalt  }
0x60: {  	_ =	shalt  }
0x61: {  	_ =	shalt  }
0x62: {  	_ =	shalt  }
0x63: {  	_ =	shalt  }
0x64: {  	_ =	shalt  }
0x65: {  	_ =	shalt  }
0x66: {  	_ =	shalt  }
0x67: {  	_ =	shalt  }
0x68: {  	_ =	shalt  }
0x69: {  	_ =	shalt  }
0x6a: {  	_ =	shalt  }
0x6b: {  	_ =	shalt  }
0x6c: {  	_ =	shalt  }
0x6d: {  	_ =	shalt  }
0x6e: {  	_ =	shalt  }
0x6f: {  	_ =	shalt  }
0x70: {  	_ =	shalt  }
0x71: {  	_ =	shalt  }
0x72: {  	_ =	shalt  }
0x73: {  	_ =	shalt  }
0x74: {  	_ =	shalt  }
0x75: {  	_ =	shalt  }
0x76: {  	_ =	shalt  }
0x77: {  	_ =	shalt  }
0x78: {  	_ =	shalt  }
0x79: {  	_ =	shalt  }
0x7a: {  	_ =	shalt  }
0x7b: {  	_ =	shalt  }
0x7c: {  	_ =	shalt  }
0x7d: {  	_ =	shalt  }
0x7e: {  	_ =	shalt  }
0x7f: {  	_ =	shalt  }
0x80: {  	_ =	shalt  }
0x81: {  	_ =	shalt  }
0x82: {  	_ =	shalt  }
0x83: {  	_ =	shalt  }
0x84: {  	_ =	shalt  }
0x85: {  	_ =	shalt  }
0x86: {  	_ =	shalt  }
0x87: {  	_ =	shalt  }
.Lfunc_end0:
.L_simem_size_0:
called_computation.1_lowered:
.L_overlay_start_0:
0x88: {  	s2 =	sld [smem:$0x3FD9]  }
0x89: {  	s3 =	sld [smem:$0x3FFE];
	_ =	sdelay $0x1  }
0x8a: {  	s1 =	srdreg.scid  }
0x8b: {  	s0 =	sand.u32 $0x1, s1  }
0x8c: {  	s17 =	sshll.u32 s0, $0xA;
	s2 =	sadd.s32 s3, s2  }
0x8d: {  	s2 =	sadd.s32 s2, s17  }
0x8e: {  	[smem:$0x3FC2] =	sst s2  }
0x8f: {  	_ = 	snop  }
0x90: {  	s2 =	sld [smem:$0x3FD0];
	(tm) =	ssettm $0x1  }
0x91: {  	s18 =	sld [smem:$0x3FFB];
	_ =	sdelay $0x3  }
0x92: {  	_ =	strace s18  }
0x93: {  	s3 =	sld [smem:$0x3FFC];
	_ =	sdelay $0x3  }
0x94: {  	_ =	strace s3  }
0x95: {  	s3 =	sld [smem:$0x3FFD];
	_ =	sdelay $0x3  }
0x96: {  	_ =	strace s3  }
0x97: {  	_ =	strace $0x8FFFFFFF  }
0x98: {  	s19 =	sld [smem:$0x3FDB];
	_ =	sdelay $0x1  }
0x99: {  	s4 =	simm.s32 $_scs_section_size  }
0x9a: {  	s5 =	simm.s32 $_size__tile_overlayer_lowered;
	s6 =	simm.s32 $_tile_overlayer_lowered  }
0x9b: {  	s22 =	simm.s32 $0x1BFF;
	s21 =	sshll.u32 s6, $0x1;
	s3 =	sadd.s32 s4, s19  }
0x9c: {  	s7 =	simm.s32 $0x0;
	s20 =	sshll.u32 s5, $0x1;
	s5 =	sadd.s32 s21, s3  }
0x9d: {  	[timem:s7], [sflag:s22] =	dma.local [hbm:s5], s20  }
0x9e: {  	_ =	swait.ge [sflag:s22], s20  }
0x9f: {  	s4 =	ssub.s32 $0x0, s20;
	[sflag:s22] =	ssyncset.done $0x0  }
0xa0: {  	[sflag:s22] =	ssyncadd.s32 s4;
	_ =	sdelay $0x1  }
0xa1: {  	s23 =	simm.s32 $0x1B8B  }
0xa2: {  	_ =	swait.ge [sflag:s23], $0x1  }
0xa3: {  	[sflag:s23] =	ssyncset.done $0x0  }
0xa4: {  	s25 =	simm.s32 $0x1B8E;
	s24 =	sld [smem:$0x3FFE];
	[sflag:s23] =	ssyncadd.s32 $0xFFFFFFFF  }
0xa5: {  	s26 =	simm.s32 $execute0_lowered;
	[smem:$0x3FD2] =	sst s25  }
0xa6: {  	s5 =	sshll.u32 s26, $0x1;
	_ =	strace $0x80000046;
	[dreg:$0x1] =	wrdreg $0xFFFFFFFF  }
0xa7: {  	s28 =	simm.s32 $_size_execute0_lowered;
	s3 =	sadd.s32 s3, s5;
	[dreg:$0x0] =	wrdreg $0x0  }
0xa8: {  	s5 =	sshll.u32 s28, $0x1;
	[dreg:$0x2] =	wrdreg s3  }
0xa9: {  	[dreg:$0x3] =	wrdreg s5  }
0xaa: {  	[dreg:$0x4] =	wrdreg $0xC0  }
0xab: {  	_ =	task [dreg:s7], $0x5FFFF  }
0xac: {  	[dreg:$0x1] =	wrdreg $0xFFFFFFFF  }
0xad: {  	[dreg:$0x0] =	wrdreg $0x60  }
0xae: {  	[dreg:$0x2] =	wrdreg s24  }
0xaf: {  	[dreg:$0x3] =	wrdreg s2  }
0xb0: {  	[dreg:$0x4] =	wrdreg $0x28000  }
0xb1: {  	[dreg:$0x5] =	wrdreg $0xA  }
0xb2: {  	_ =	task.clear_ibuf [dreg:s7], $0x6FFFF;
	_ =	strace $0x90000046  }
0xb3: {  	s29 =	simm.s32 $0xA;
	_ =	strace $0x80000048  }
0xb4: {  	_ =	swait.ge [sflag:s29], $0x1  }
0xb5: {  	[sflag:s29] =	ssyncadd.s32 $0xFFFFFFFF  }
0xb6: {  	_ =	strace $0x90000048  }
0xb7: {  	_ =	sfence  }
0xb8: {  	s30 =	sld [smem:$0x0];
	_ =	sdelay $0x2  }
0xb9: {  	s31 =	sshll.u32 s1, $0xD;
	s1 =	sshrl.u32 s1, $0x2  }
0xba: {  	s3 =	sand.u32 $0x4000, s31;
	s1 =	sadd.s32 s1, s30  }
0xbb: {  	s0 =	sor.u32 s3, s0;
	s1 =	sshll.u32 s1, $0x11  }
0xbc: {  	s0 =	sor.u32 s1, s0  }
0xbd: {  	s0 =	sadd.s32 $0x8F2B, s0  }
0xbe: {  	[sflag:s0] =	ssyncadd.remote.s32 $0x1  }
0xbf: {  	_ =	sfence.sel $0xFFFF  }
0xc0: {  	[dreg:$0x0] =	wrdreg $0xFFFFFFFF;
	(pc) =	sbr.abs _section_cstart, $3  }
0xc1: {  	[dreg:$0x1] =	wrdreg $0xFFFFFFFF  }
0xc2: {  	_ =	task.clear_ibuf [dreg:s7], $0x2FFFF;
	_ =	strace $0x9FFFFFFF  }
0xc3: {  	(tm) =	ssettm $0x7FFFFFFF  }
tec
execute0_lowered:
.L_overlay_start_1:
0x0: {  	(tag) =	ssettag $0x1  }
0x1: {  	s0 =	rddreg [dreg:$0x0]  }
0x2: {  	s1 =	srdreg.scid;
	s8 =	stileid.u32  }
0x3: {  	s3 =	rddreg [dreg:$0x2];
	s4 =	simm.s32 $0x0;
	s11 =	simm.s32 $0x2  }
0x4: {  	s12 =	simm.s32 $0x800;
	s13 =	simm.s32 $0x40;
	s14 =	simm.s32 $0x80  }
0x5: {  	s15 =	simm.s32 $0x100;
	s16 =	simm.s32 $0x180;
	s17 =	simm.s32 $0x200  }
0x6: {  	s18 =	simm.s32 $0x280;
	s19 =	simm.s32 $0x300;
	s5 =	smul.u32 $0x5000, s8  }
0x7: {  	s20 =	simm.s32 $0x380;
	s28 =	simm.s32 $0x700;
	s6 =	smul.u32 $0x14000, s8  }
0x8: {  	s29 =	simm.s32 $0x780;
	s1 =	sand.u32 $0x1, s1;
	s22 =	smul.u32 $0x50000, s8  }
0x9: {  	s30 =	simm.s32 $0x1;
	s31 =	simm.s32 $0x0;
	s2 =	smul.u32 $0x50000, s1  }
0xa: {  	[smem:$0x7FF] =	sst s4;
	s25 =	sshll.u32 s8, $0x6;
	s21 =	smul.u32 $0x140000, s1  }
0xb: {  	_ =	strace $0x80000047;
	s1 =	ssub.s32 $0x2, s1;
	s7 =	sshrl.u32 s6, $0x3  }
0xc: {  	s23 =	sshrl.u32 s1, $0x1;
	s24 =	sshrl.u32 s22, $0x2;
	s22 =	simm.s32 $0x480  }
0xd: {  	s2 =	sadd.s32 s5, s2;
	s5 =	sadd.s32 s6, s21;
	s7 =	sadd.s32 s7, s0  }
0xe: {  	s1 =	ssub.s32 s1, s23;
	s10 =	sadd.s32 s24, s3;
	s6 =	sor.u32 $0x1C02, s25  }
0xf: {  	s21 =	simm.s32 $0x400;
	s23 =	simm.s32 $0x500;
	s24 =	simm.s32 $0x580  }
0x10: {  	s25 =	simm.s32 $0x600;
	s2 =	sshrl.u32 s2, $0x3;
	s5 =	sshrl.u32 s5, $0x3  }
0x11: {  	s26 =	sadd.s32 $0x15C00, s7;
	s8 =	smax.u32 s1, $0x1;
	s10 =	sshrl.u32 s10, $0x3  }
0x12: {  	s2 =	sadd.s32 s2, s0;
	s0 =	sadd.s32 s5, s0;
	[dreg:$0x4] =	wrdreg s26  }
0x13: {  	s26 =	simm.s32 $0x680;
	s7 =	sadd.s32 $0x3DC00, s0;
	s9 =	sadd.s32 $0x1C00, s2  }
.LBB2_1:
0x14: {  	s0 =	rddreg [dreg:$0x4]  }
0x15: {  	[spmem:s10], [sflag:s6] =	dma.local [hbm:s0], $0x2800  }
0x16: {  	_ =	swait.ge [sflag:s11], $0x2800  }
0x17: {  	[sflag:s11] =	ssyncset.done $0x0  }
0x18: {  	[sflag:s11] =	ssyncadd.s32 $0xFFFFD800  }
0x19: {  	s2 =	rddreg [dreg:$0x1]  }
0x1a: {  	[tilespmem:s12], [sflag:$0x2] =	stream.linear.gather [hbm4b:s2+s4], $0x2000, $0x38;
	[tilespmem:$0x16800] =	vst v63  }
0x1b: {  	_ =	swait.ge [sflag:s11], $0x2000  }
0x1c: {  	[sflag:s11] =	ssyncset.done $0x0  }
0x1d: {  	[sflag:s11] =	ssyncadd.s32 $0xFFFFE000  }
0x1e: {  	s5 =	sadd.s32 $0x0, s9;
	[bflag:$0x0] =	sbarrier.arrive $0xFFFF  }
0x1f: {  	[tilespmem:s4], [sflag:$0x2] =	stream.linear.gather [hbm4b:s5+s4], $0x800, $0x38;
	[tilespmem:$0x16800] =	vst v63  }
0x20: {  	_ =	swait.ge [sflag:s11], $0x800  }
0x21: {  	[sflag:s11] =	ssyncset.done $0x0  }
0x22: {  	[sflag:s11] =	ssyncadd.s32 $0xFFFFF800  }
0x23: {  	[spmem:s3] =	stream.indirect.scatter.add.f32 [tilespmem:s12], [sflag:$0x1], $0x80, s4, s13, $0xb8;
	[tilespmem:$0x16800] =	vst v63  }
0x24: {  	_ = 	snop  }
0x25: {  	[spmem:s3] =	stream.indirect.scatter.add.f32 [tilespmem:s12], [sflag:$0x1], $0x80, s14, s13, $0xb8;
	[tilespmem:$0x16800] =	vst v63  }
0x26: {  	_ = 	snop  }
0x27: {  	[spmem:s3] =	stream.indirect.scatter.add.f32 [tilespmem:s12], [sflag:$0x1], $0x80, s15, s13, $0xb8;
	[tilespmem:$0x16800] =	vst v63  }
0x28: {  	_ = 	snop  }
0x29: {  	[spmem:s3] =	stream.indirect.scatter.add.f32 [tilespmem:s12], [sflag:$0x1], $0x80, s16, s13, $0xb8;
	[tilespmem:$0x16800] =	vst v63  }
0x2a: {  	_ = 	snop  }
0x2b: {  	[spmem:s3] =	stream.indirect.scatter.add.f32 [tilespmem:s12], [sflag:$0x1], $0x80, s17, s13, $0xb8;
	[tilespmem:$0x16800] =	vst v63  }
0x2c: {  	_ = 	snop  }
0x2d: {  	[spmem:s3] =	stream.indirect.scatter.add.f32 [tilespmem:s12], [sflag:$0x1], $0x80, s18, s13, $0xb8;
	[tilespmem:$0x16800] =	vst v63  }
0x2e: {  	_ = 	snop  }
0x2f: {  	[spmem:s3] =	stream.indirect.scatter.add.f32 [tilespmem:s12], [sflag:$0x1], $0x80, s19, s13, $0xb8;
	[tilespmem:$0x16800] =	vst v63  }
0x30: {  	_ = 	snop  }
0x31: {  	[spmem:s3] =	stream.indirect.scatter.add.f32 [tilespmem:s12], [sflag:$0x1], $0x80, s20, s13, $0xb8;
	[tilespmem:$0x16800] =	vst v63  }
0x32: {  	_ = 	snop  }
0x33: {  	[spmem:s3] =	stream.indirect.scatter.add.f32 [tilespmem:s12], [sflag:$0x1], $0x80, s21, s13, $0xb8;
	[tilespmem:$0x16800] =	vst v63  }
0x34: {  	_ = 	snop  }
0x35: {  	[spmem:s3] =	stream.indirect.scatter.add.f32 [tilespmem:s12], [sflag:$0x1], $0x80, s22, s13, $0xb8;
	[tilespmem:$0x16800] =	vst v63  }
0x36: {  	_ = 	snop  }
0x37: {  	[spmem:s3] =	stream.indirect.scatter.add.f32 [tilespmem:s12], [sflag:$0x1], $0x80, s23, s13, $0xb8;
	[tilespmem:$0x16800] =	vst v63  }
0x38: {  	_ = 	snop  }
0x39: {  	[spmem:s3] =	stream.indirect.scatter.add.f32 [tilespmem:s12], [sflag:$0x1], $0x80, s24, s13, $0xb8;
	[tilespmem:$0x16800] =	vst v63  }
0x3a: {  	_ = 	snop  }
0x3b: {  	[spmem:s3] =	stream.indirect.scatter.add.f32 [tilespmem:s12], [sflag:$0x1], $0x80, s25, s13, $0xb8;
	[tilespmem:$0x16800] =	vst v63  }
0x3c: {  	_ = 	snop  }
0x3d: {  	[spmem:s3] =	stream.indirect.scatter.add.f32 [tilespmem:s12], [sflag:$0x1], $0x80, s26, s13, $0xb8;
	[tilespmem:$0x16800] =	vst v63  }
0x3e: {  	_ = 	snop  }
0x3f: {  	[spmem:s3] =	stream.indirect.scatter.add.f32 [tilespmem:s12], [sflag:$0x1], $0x80, s28, s13, $0xb8;
	[tilespmem:$0x16800] =	vst v63  }
0x40: {  	_ = 	snop  }
0x41: {  	[spmem:s3] =	stream.indirect.scatter.add.f32 [tilespmem:s12], [sflag:$0x1], $0x80, s29, s13, $0xb8;
	[tilespmem:$0x16800] =	vst v63  }
0x42: {  	_ =	swait.ge [sflag:s30], $0x2000  }
0x43: {  	[sflag:s30] =	ssyncset.done $0x0  }
0x44: {  	[sflag:s30] =	ssyncadd.s32 $0xFFFFE000  }
0x45: {  	_ =	swait.ge [sflag:s30], $0x2000  }
0x46: {  	[sflag:s30] =	ssyncset.done $0x0  }
0x47: {  	[sflag:s30] =	ssyncadd.s32 $0xFFFFE000  }
0x48: {  	_ =	swait.ge [sflag:s30], $0x2000  }
0x49: {  	[sflag:s30] =	ssyncset.done $0x0  }
0x4a: {  	[sflag:s30] =	ssyncadd.s32 $0xFFFFE000  }
0x4b: {  	_ =	swait.ge [sflag:s30], $0x2000  }
0x4c: {  	[sflag:s30] =	ssyncset.done $0x0  }
0x4d: {  	[sflag:s30] =	ssyncadd.s32 $0xFFFFE000  }
0x4e: {  	_ =	swait.ge [sflag:s30], $0x2000  }
0x4f: {  	[sflag:s30] =	ssyncset.done $0x0  }
0x50: {  	[sflag:s30] =	ssyncadd.s32 $0xFFFFE000  }
0x51: {  	_ =	swait.ge [sflag:s30], $0x2000  }
0x52: {  	[sflag:s30] =	ssyncset.done $0x0  }
0x53: {  	[sflag:s30] =	ssyncadd.s32 $0xFFFFE000  }
0x54: {  	_ =	swait.ge [sflag:s30], $0x2000  }
0x55: {  	[sflag:s30] =	ssyncset.done $0x0  }
0x56: {  	[sflag:s30] =	ssyncadd.s32 $0xFFFFE000  }
0x57: {  	_ =	swait.ge [sflag:s30], $0x2000  }
0x58: {  	[sflag:s30] =	ssyncset.done $0x0  }
0x59: {  	[sflag:s30] =	ssyncadd.s32 $0xFFFFE000  }
0x5a: {  	_ =	swait.ge [sflag:s30], $0x2000  }
0x5b: {  	[sflag:s30] =	ssyncset.done $0x0  }
0x5c: {  	[sflag:s30] =	ssyncadd.s32 $0xFFFFE000  }
0x5d: {  	_ =	swait.ge [sflag:s30], $0x2000  }
0x5e: {  	[sflag:s30] =	ssyncset.done $0x0  }
0x5f: {  	[sflag:s30] =	ssyncadd.s32 $0xFFFFE000  }
0x60: {  	_ =	swait.ge [sflag:s30], $0x2000  }
0x61: {  	[sflag:s30] =	ssyncset.done $0x0  }
0x62: {  	[sflag:s30] =	ssyncadd.s32 $0xFFFFE000  }
0x63: {  	_ =	swait.ge [sflag:s30], $0x2000  }
0x64: {  	[sflag:s30] =	ssyncset.done $0x0  }
0x65: {  	[sflag:s30] =	ssyncadd.s32 $0xFFFFE000  }
0x66: {  	_ =	swait.ge [sflag:s30], $0x2000  }
0x67: {  	[sflag:s30] =	ssyncset.done $0x0  }
0x68: {  	[sflag:s30] =	ssyncadd.s32 $0xFFFFE000  }
0x69: {  	_ =	swait.ge [sflag:s30], $0x2000  }
0x6a: {  	[sflag:s30] =	ssyncset.done $0x0  }
0x6b: {  	[sflag:s30] =	ssyncadd.s32 $0xFFFFE000  }
0x6c: {  	_ =	swait.ge [sflag:s30], $0x2000  }
0x6d: {  	[sflag:s30] =	ssyncset.done $0x0  }
0x6e: {  	[sflag:s30] =	ssyncadd.s32 $0xFFFFE000  }
0x6f: {  	_ =	swait.ge [sflag:s30], $0x2000  }
0x70: {  	s1 =	simm.s32 $0x100;
	s0 =	simm.s32 $0x200;
	[sflag:s30] =	ssyncset.done $0x0  }
.LBB2_2:
0x71: {  	s5 =	sadd.s32 s1, s9  }
0x72: {  	[sflag:s30] =	ssyncadd.s32 $0xFFFFE000;
	s1 =	smov.u32 s0;
	s2 =	sadd.s32 $0x100, s0  }
0x73: {  	[tilespmem:s4], [sflag:$0x2] =	stream.linear.gather [hbm4b:s5+s4], $0x800, $0x38;
	[tilespmem:$0x16800] =	vst v63  }
0x74: {  	p0 =	sne.s32 s0, $0x900;
	_ =	swait.ge [sflag:s11], $0x800  }
0x75: {  	[sflag:s11] =	ssyncset.done $0x0  }
0x76: {  	[sflag:s11] =	ssyncadd.s32 $0xFFFFF800  }
0x77: {  	[spmem:s3] =	stream.indirect.scatter.add.f32 [tilespmem:s12], [sflag:$0x1], $0x80, s4, s13, $0xb8;
	[tilespmem:$0x16800] =	vst v63  }
0x78: {  	_ = 	snop  }
0x79: {  	[spmem:s3] =	stream.indirect.scatter.add.f32 [tilespmem:s12], [sflag:$0x1], $0x80, s14, s13, $0xb8;
	[tilespmem:$0x16800] =	vst v63  }
0x7a: {  	_ = 	snop  }
0x7b: {  	[spmem:s3] =	stream.indirect.scatter.add.f32 [tilespmem:s12], [sflag:$0x1], $0x80, s15, s13, $0xb8;
	[tilespmem:$0x16800] =	vst v63  }
0x7c: {  	_ = 	snop  }
0x7d: {  	[spmem:s3] =	stream.indirect.scatter.add.f32 [tilespmem:s12], [sflag:$0x1], $0x80, s16, s13, $0xb8;
	[tilespmem:$0x16800] =	vst v63  }
0x7e: {  	_ = 	snop  }
0x7f: {  	[spmem:s3] =	stream.indirect.scatter.add.f32 [tilespmem:s12], [sflag:$0x1], $0x80, s17, s13, $0xb8;
	[tilespmem:$0x16800] =	vst v63  }
0x80: {  	_ = 	snop  }
0x81: {  	[spmem:s3] =	stream.indirect.scatter.add.f32 [tilespmem:s12], [sflag:$0x1], $0x80, s18, s13, $0xb8;
	[tilespmem:$0x16800] =	vst v63  }
0x82: {  	_ = 	snop  }
0x83: {  	[spmem:s3] =	stream.indirect.scatter.add.f32 [tilespmem:s12], [sflag:$0x1], $0x80, s19, s13, $0xb8;
	[tilespmem:$0x16800] =	vst v63  }
0x84: {  	_ = 	snop  }
0x85: {  	[spmem:s3] =	stream.indirect.scatter.add.f32 [tilespmem:s12], [sflag:$0x1], $0x80, s20, s13, $0xb8;
	[tilespmem:$0x16800] =	vst v63  }
0x86: {  	_ = 	snop  }
0x87: {  	[spmem:s3] =	stream.indirect.scatter.add.f32 [tilespmem:s12], [sflag:$0x1], $0x80, s21, s13, $0xb8;
	[tilespmem:$0x16800] =	vst v63  }
0x88: {  	_ = 	snop  }
0x89: {  	[spmem:s3] =	stream.indirect.scatter.add.f32 [tilespmem:s12], [sflag:$0x1], $0x80, s22, s13, $0xb8;
	[tilespmem:$0x16800] =	vst v63  }
0x8a: {  	_ = 	snop  }
0x8b: {  	[spmem:s3] =	stream.indirect.scatter.add.f32 [tilespmem:s12], [sflag:$0x1], $0x80, s23, s13, $0xb8;
	[tilespmem:$0x16800] =	vst v63  }
0x8c: {  	_ = 	snop  }
0x8d: {  	[spmem:s3] =	stream.indirect.scatter.add.f32 [tilespmem:s12], [sflag:$0x1], $0x80, s24, s13, $0xb8;
	[tilespmem:$0x16800] =	vst v63  }
0x8e: {  	_ = 	snop  }
0x8f: {  	[spmem:s3] =	stream.indirect.scatter.add.f32 [tilespmem:s12], [sflag:$0x1], $0x80, s25, s13, $0xb8;
	[tilespmem:$0x16800] =	vst v63  }
0x90: {  	_ = 	snop  }
0x91: {  	[spmem:s3] =	stream.indirect.scatter.add.f32 [tilespmem:s12], [sflag:$0x1], $0x80, s26, s13, $0xb8;
	[tilespmem:$0x16800] =	vst v63  }
0x92: {  	_ = 	snop  }
0x93: {  	[spmem:s3] =	stream.indirect.scatter.add.f32 [tilespmem:s12], [sflag:$0x1], $0x80, s28, s13, $0xb8;
	[tilespmem:$0x16800] =	vst v63  }
0x94: {  	_ = 	snop  }
0x95: {  	[spmem:s3] =	stream.indirect.scatter.add.f32 [tilespmem:s12], [sflag:$0x1], $0x80, s29, s13, $0xb8;
	[tilespmem:$0x16800] =	vst v63  }
0x96: {  	_ =	swait.ge [sflag:s30], $0x2000  }
0x97: {  	[sflag:s30] =	ssyncset.done $0x0  }
0x98: {  	[sflag:s30] =	ssyncadd.s32 $0xFFFFE000  }
0x99: {  	_ =	swait.ge [sflag:s30], $0x2000  }
0x9a: {  	[sflag:s30] =	ssyncset.done $0x0  }
0x9b: {  	[sflag:s30] =	ssyncadd.s32 $0xFFFFE000  }
0x9c: {  	_ =	swait.ge [sflag:s30], $0x2000  }
0x9d: {  	[sflag:s30] =	ssyncset.done $0x0  }
0x9e: {  	[sflag:s30] =	ssyncadd.s32 $0xFFFFE000  }
0x9f: {  	_ =	swait.ge [sflag:s30], $0x2000  }
0xa0: {  	[sflag:s30] =	ssyncset.done $0x0  }
0xa1: {  	[sflag:s30] =	ssyncadd.s32 $0xFFFFE000  }
0xa2: {  	_ =	swait.ge [sflag:s30], $0x2000  }
0xa3: {  	[sflag:s30] =	ssyncset.done $0x0  }
0xa4: {  	[sflag:s30] =	ssyncadd.s32 $0xFFFFE000  }
0xa5: {  	_ =	swait.ge [sflag:s30], $0x2000  }
0xa6: {  	[sflag:s30] =	ssyncset.done $0x0  }
0xa7: {  	[sflag:s30] =	ssyncadd.s32 $0xFFFFE000  }
0xa8: {  	_ =	swait.ge [sflag:s30], $0x2000  }
0xa9: {  	[sflag:s30] =	ssyncset.done $0x0  }
0xaa: {  	[sflag:s30] =	ssyncadd.s32 $0xFFFFE000  }
0xab: {  	_ =	swait.ge [sflag:s30], $0x2000  }
0xac: {  	[sflag:s30] =	ssyncset.done $0x0  }
0xad: {  	[sflag:s30] =	ssyncadd.s32 $0xFFFFE000  }
0xae: {  	_ =	swait.ge [sflag:s30], $0x2000  }
0xaf: {  	[sflag:s30] =	ssyncset.done $0x0  }
0xb0: {  	[sflag:s30] =	ssyncadd.s32 $0xFFFFE000  }
0xb1: {  	_ =	swait.ge [sflag:s30], $0x2000  }
0xb2: {  	[sflag:s30] =	ssyncset.done $0x0  }
0xb3: {  	[sflag:s30] =	ssyncadd.s32 $0xFFFFE000  }
0xb4: {  	_ =	swait.ge [sflag:s30], $0x2000  }
0xb5: {  	[sflag:s30] =	ssyncset.done $0x0  }
0xb6: {  	[sflag:s30] =	ssyncadd.s32 $0xFFFFE000  }
0xb7: {  	_ =	swait.ge [sflag:s30], $0x2000  }
0xb8: {  	[sflag:s30] =	ssyncset.done $0x0  }
0xb9: {  	[sflag:s30] =	ssyncadd.s32 $0xFFFFE000  }
0xba: {  	_ =	swait.ge [sflag:s30], $0x2000  }
0xbb: {  	[sflag:s30] =	ssyncset.done $0x0  }
0xbc: {  	[sflag:s30] =	ssyncadd.s32 $0xFFFFE000  }
0xbd: {  	_ =	swait.ge [sflag:s30], $0x2000  }
0xbe: {  	[sflag:s30] =	ssyncset.done $0x0  }
0xbf: {  	[sflag:s30] =	ssyncadd.s32 $0xFFFFE000  }
.Ltmp0:
0xc0: {  	_ =	swait.ge [sflag:s30], $0x2000;
	(pc) =	sbr.rel @p0 .LBB2_2-.Ltmp0, $4  }
0xc1: {  	[sflag:s30] =	ssyncset.done $0x0  }
0xc2: {  	[sflag:s30] =	ssyncadd.s32 $0xFFFFE000  }
0xc3: {  	_ =	swait.ge [sflag:s30], $0x2000  }
0xc4: {  	s0 =	smov.u32 s2;
	[sflag:s30] =	ssyncset.done $0x0  }
0xc5: {  	s0 =	sadd.s32 s1, s9;
	[sflag:s30] =	ssyncadd.s32 $0xFFFFE000  }
0xc6: {  	[tilespmem:s4], [sflag:$0x2] =	stream.linear.gather [hbm4b:s0+s4], $0x800, $0x38;
	[tilespmem:$0x16800] =	vst v63  }
0xc7: {  	_ =	swait.ge [sflag:s11], $0x800  }
0xc8: {  	[sflag:s11] =	ssyncset.done $0x0  }
0xc9: {  	[sflag:s11] =	ssyncadd.s32 $0xFFFFF800  }
0xca: {  	[spmem:s3] =	stream.indirect.scatter.add.f32 [tilespmem:s12], [sflag:$0x1], $0x80, s4, s13, $0xb8;
	[tilespmem:$0x16800] =	vst v63  }
0xcb: {  	_ = 	snop  }
0xcc: {  	[spmem:s3] =	stream.indirect.scatter.add.f32 [tilespmem:s12], [sflag:$0x1], $0x80, s14, s13, $0xb8;
	[tilespmem:$0x16800] =	vst v63  }
0xcd: {  	_ = 	snop  }
0xce: {  	[spmem:s3] =	stream.indirect.scatter.add.f32 [tilespmem:s12], [sflag:$0x1], $0x80, s15, s13, $0xb8;
	[tilespmem:$0x16800] =	vst v63  }
0xcf: {  	_ = 	snop  }
0xd0: {  	[spmem:s3] =	stream.indirect.scatter.add.f32 [tilespmem:s12], [sflag:$0x1], $0x80, s16, s13, $0xb8;
	[tilespmem:$0x16800] =	vst v63  }
0xd1: {  	_ = 	snop  }
0xd2: {  	[spmem:s3] =	stream.indirect.scatter.add.f32 [tilespmem:s12], [sflag:$0x1], $0x80, s17, s13, $0xb8;
	[tilespmem:$0x16800] =	vst v63  }
0xd3: {  	_ = 	snop  }
0xd4: {  	[spmem:s3] =	stream.indirect.scatter.add.f32 [tilespmem:s12], [sflag:$0x1], $0x80, s18, s13, $0xb8;
	[tilespmem:$0x16800] =	vst v63  }
0xd5: {  	_ = 	snop  }
0xd6: {  	[spmem:s3] =	stream.indirect.scatter.add.f32 [tilespmem:s12], [sflag:$0x1], $0x80, s19, s13, $0xb8;
	[tilespmem:$0x16800] =	vst v63  }
0xd7: {  	_ = 	snop  }
0xd8: {  	[spmem:s3] =	stream.indirect.scatter.add.f32 [tilespmem:s12], [sflag:$0x1], $0x80, s20, s13, $0xb8;
	[tilespmem:$0x16800] =	vst v63  }
0xd9: {  	_ = 	snop  }
0xda: {  	[spmem:s3] =	stream.indirect.scatter.add.f32 [tilespmem:s12], [sflag:$0x1], $0x80, s21, s13, $0xb8;
	[tilespmem:$0x16800] =	vst v63  }
0xdb: {  	_ = 	snop  }
0xdc: {  	[spmem:s3] =	stream.indirect.scatter.add.f32 [tilespmem:s12], [sflag:$0x1], $0x80, s22, s13, $0xb8;
	[tilespmem:$0x16800] =	vst v63  }
0xdd: {  	_ = 	snop  }
0xde: {  	[spmem:s3] =	stream.indirect.scatter.add.f32 [tilespmem:s12], [sflag:$0x1], $0x80, s23, s13, $0xb8;
	[tilespmem:$0x16800] =	vst v63  }
0xdf: {  	_ = 	snop  }
0xe0: {  	[spmem:s3] =	stream.indirect.scatter.add.f32 [tilespmem:s12], [sflag:$0x1], $0x80, s24, s13, $0xb8;
	[tilespmem:$0x16800] =	vst v63  }
0xe1: {  	_ = 	snop  }
0xe2: {  	[spmem:s3] =	stream.indirect.scatter.add.f32 [tilespmem:s12], [sflag:$0x1], $0x80, s25, s13, $0xb8;
	[tilespmem:$0x16800] =	vst v63  }
0xe3: {  	_ = 	snop  }
0xe4: {  	[spmem:s3] =	stream.indirect.scatter.add.f32 [tilespmem:s12], [sflag:$0x1], $0x80, s26, s13, $0xb8;
	[tilespmem:$0x16800] =	vst v63  }
0xe5: {  	_ = 	snop  }
0xe6: {  	[spmem:s3] =	stream.indirect.scatter.add.f32 [tilespmem:s12], [sflag:$0x1], $0x80, s28, s13, $0xb8;
	[tilespmem:$0x16800] =	vst v63  }
0xe7: {  	_ = 	snop  }
0xe8: {  	[spmem:s3] =	stream.indirect.scatter.add.f32 [tilespmem:s12], [sflag:$0x1], $0x80, s29, s13, $0xb8;
	[tilespmem:$0x16800] =	vst v63  }
0xe9: {  	_ =	swait.ge [sflag:s30], $0x2000  }
0xea: {  	[sflag:s30] =	ssyncset.done $0x0  }
0xeb: {  	[sflag:s30] =	ssyncadd.s32 $0xFFFFE000  }
0xec: {  	_ =	swait.ge [sflag:s30], $0x2000  }
0xed: {  	[sflag:s30] =	ssyncset.done $0x0  }
0xee: {  	[sflag:s30] =	ssyncadd.s32 $0xFFFFE000  }
0xef: {  	_ =	swait.ge [sflag:s30], $0x2000  }
0xf0: {  	[sflag:s30] =	ssyncset.done $0x0  }
0xf1: {  	[sflag:s30] =	ssyncadd.s32 $0xFFFFE000  }
0xf2: {  	_ =	swait.ge [sflag:s30], $0x2000  }
0xf3: {  	[sflag:s30] =	ssyncset.done $0x0  }
0xf4: {  	[sflag:s30] =	ssyncadd.s32 $0xFFFFE000  }
0xf5: {  	_ =	swait.ge [sflag:s30], $0x2000  }
0xf6: {  	[sflag:s30] =	ssyncset.done $0x0  }
0xf7: {  	[sflag:s30] =	ssyncadd.s32 $0xFFFFE000  }
0xf8: {  	_ =	swait.ge [sflag:s30], $0x2000  }
0xf9: {  	[sflag:s30] =	ssyncset.done $0x0  }
0xfa: {  	[sflag:s30] =	ssyncadd.s32 $0xFFFFE000  }
0xfb: {  	_ =	swait.ge [sflag:s30], $0x2000  }
0xfc: {  	[sflag:s30] =	ssyncset.done $0x0  }
0xfd: {  	[sflag:s30] =	ssyncadd.s32 $0xFFFFE000  }
0xfe: {  	_ =	swait.ge [sflag:s30], $0x2000  }
0xff: {  	[sflag:s30] =	ssyncset.done $0x0  }
0x100: {  	[sflag:s30] =	ssyncadd.s32 $0xFFFFE000  }
0x101: {  	_ =	swait.ge [sflag:s30], $0x2000  }
0x102: {  	[sflag:s30] =	ssyncset.done $0x0  }
0x103: {  	[sflag:s30] =	ssyncadd.s32 $0xFFFFE000  }
0x104: {  	_ =	swait.ge [sflag:s30], $0x2000  }
0x105: {  	[sflag:s30] =	ssyncset.done $0x0  }
0x106: {  	[sflag:s30] =	ssyncadd.s32 $0xFFFFE000  }
0x107: {  	_ =	swait.ge [sflag:s30], $0x2000  }
0x108: {  	[sflag:s30] =	ssyncset.done $0x0  }
0x109: {  	[sflag:s30] =	ssyncadd.s32 $0xFFFFE000  }
0x10a: {  	_ =	swait.ge [sflag:s30], $0x2000  }
0x10b: {  	[sflag:s30] =	ssyncset.done $0x0  }
0x10c: {  	[sflag:s30] =	ssyncadd.s32 $0xFFFFE000  }
0x10d: {  	_ =	swait.ge [sflag:s30], $0x2000  }
0x10e: {  	[sflag:s30] =	ssyncset.done $0x0  }
0x10f: {  	[sflag:s30] =	ssyncadd.s32 $0xFFFFE000  }
0x110: {  	_ =	swait.ge [sflag:s30], $0x2000  }
0x111: {  	[sflag:s30] =	ssyncset.done $0x0  }
0x112: {  	[sflag:s30] =	ssyncadd.s32 $0xFFFFE000  }
0x113: {  	_ =	swait.ge [sflag:s30], $0x2000  }
0x114: {  	[sflag:s30] =	ssyncset.done $0x0  }
0x115: {  	[sflag:s30] =	ssyncadd.s32 $0xFFFFE000  }
0x116: {  	_ =	swait.ge [sflag:s30], $0x2000  }
0x117: {  	s31 =	sadd.s32 $0x1, s31;
	[sflag:s30] =	ssyncset.done $0x0  }
0x118: {  	p0 =	sne.s32 s31, s8;
	[sflag:s30] =	ssyncadd.s32 $0xFFFFE000  }
.Ltmp1:
0x119: {  	[bflag:$0x0] =	sbarrier.arrive $0xFFFF;
	(pc) =	sbr.rel @p0 .LBB2_1-.Ltmp1, $4  }
0x11a: {  	[hbm:s7], [sflag:s6] =	dma.local [spmem:s10], $0x2800  }
0x11b: {  	_ =	swait.ge [sflag:s11], $0x2800  }
0x11c: {  	[sflag:s11] =	ssyncset.done $0x0  }
0x11d: {  	[sflag:s11] =	ssyncadd.s32 $0xFFFFD800  }
0x11e: {  	_ =	sfence.sel $0x180000  }
0x11f: {  	[bflag:$0x0] =	sbarrier.arrive $0xFFFF  }
0x120: {  	_ =	strace $0x90000047  }
0x121: {  	s0 =	stileid.u32;
	[bflag:$0x2] =	sbarrier.arrive $0xFFFF  }
0x122: {  	p0 =	sne.s32 s0, $0x0;
	s0 =	rddreg [dreg:$0x3]  }
0x123: {  	s0 =	sadd.s32 @!p0 $0x100000, s0  }
0x124: {  	[sflag:s0] =	ssyncadd.tile.s32 @!p0 $0x1;
	_ =	shalt  }
.Lfunc_end2:
_tile_overlayer_lowered:
.L_overlay_start_2:
0x125: {  	(tag) =	ssettag $0x2  }
0x126: {  	s0 =	rddreg [dreg:$0x0];
	s2 =	stileid.u32  }
0x127: {  	s1 =	rddreg [dreg:$0x1];
	p0 =	sne.s32 s2, $0x0  }
0x128: {  	s3 =	rddreg [dreg:$0x2];
	[bflag:$0x3] =	sbarrier.arrive $0xFFFF;
	s2 =	simm.s32 @!p0 $0x1C02  }
0x129: {  	[timem:s3], [sflag:s2] =	dma.local @!p0 [hbm:s0], s1  }
0x12a: {  	s0 =	simm.s32 @!p0 $0x2  }
0x12b: {  	_ =	swait.ge @!p0 [sflag:s0], s1  }
0x12c: {  	s1 =	ssub.s32 @!p0 $0x0, s1;
	[sflag:s0] =	ssyncset.done @!p0 $0x0  }
0x12d: {  	[sflag:s0] =	ssyncadd.s32 @!p0 s1  }
0x12e: {  	[bflag:$0x3] =	sbarrier.arrive $0xFFFF  }
0x12f: {  	_ =	shalt  }

// kernel: kernel.13.cloned.1.call-start
scs
__scs_entry_jumppad:
0x0: {  	(pc) =	sbr.rel $0x88, $3  }
0x1: {  	(tag) =	ssettag $0x0;
	lr =	simm.s32 $0x1  }
0x2: {  	[smem:$0x3F9B] =	sst lr;
	_ =	strace $0xD0000000  }
0x3: {  	_ = 	snop  }
0x4: {  	_ = 	snop  }
0x5: {  	_ = 	snop  }
0x6: {  	_ = 	snop  }
0x7: {  	_ = 	snop  }
__scs_overlays_trampoline_lowered:
0x8: {  	[smem:$0x3FAA] =	sst s0  }
0x9: {  	[smem:$0x3FAB] =	sst s1  }
0xa: {  	[smem:$0x3FAC] =	sst s2  }
0xb: {  	[smem:$0x3FAD] =	sst s3  }
0xc: {  	[smem:$0x3FAE] =	sst s4  }
0xd: {  	[smem:$0x3FAF] =	sst s5  }
0xe: {  	[smem:$0x3FB0] =	sst s6  }
0xf: {  	[smem:$0x3FB1] =	sst s7  }
0x10: {  	[smem:$0x3FB2] =	sst s8  }
0x11: {  	[smem:$0x3FB3] =	sst s9;
	s0 =	simm.s32 @!p0 $0x0  }
0x12: {  	s1 =	sld [smem:$0x3F99];
	s0 =	simm.s32 @p0 $0x1  }
0x13: {  	[smem:$0x3FB4] =	sst s0;
	s0 =	simm.s32 @!p1 $0x0  }
0x14: {  	s2 =	sld [smem:$0x3F98];
	s0 =	simm.s32 @p1 $0x1  }
0x15: {  	[smem:$0x3FB5] =	sst s0;
	s0 =	simm.s32 @!p2 $0x0  }
0x16: {  	s3 =	sld [smem:$0x3FDB];
	s0 =	simm.s32 @p2 $0x1  }
0x17: {  	s4 =	simm.s32 $0x1BF5;
	[smem:$0x3FB7] =	sst s0  }
0x18: {  	s0 =	sld [smem:$0x3F9A];
	_ =	swait.ge [sflag:s4], $0x0  }
0x19: {  	s7 =	sld [smem:$0x3F9B]  }
0x1a: {  	s8 =	sadd.s32 $0xFFFFE003, lr  }
0x1b: {  	s9 =	sadd.s32 $0xFFFFFEF7, lr;
	s5 =	simm.s32 $0xFFFFFFFF;
	p2 =	slt.u32 s8, $0xFFFFF086  }
0x1c: {  	p1 =	slt.u32 s9, $0xF7A;
	s5 =	simm.s32 @!p2 $0x0  }
0x1d: {  	s5 =	simm.s32 @p1 $0x1;
	p0 =	seq.s32 s7, s2  }
0x1e: {  	s7 =	smul.u32 @!p0 $0xF7A, s2;
	p2 =	seq.s32 @!p0 s5, $0x0  }
0x1f: {  	s9 =	smul.u32 $0xF7A, s1;
	s8 =	simm.s32 @!p0 $0x1BF5;
	p2 =	por !p2, p0  }
0x20: {  	[sflag:s8] =	ssyncset.s32 @!p0 $0xFFFFF086;
	s6 =	sadd.s32 @!p0 s3, s7;
	s7 =	simm.s32 @!p0 $0x108  }
0x21: {  	s3 =	sadd.s32 s3, s9;
	s6 =	sadd.s32 @!p0 $0x88, s6;
	s7 =	simm.s32 @p2 $0x1082  }
0x22: {  	[simem:s7], [sflag:s8] =	dma.local @!p0 [hbm:s6], $0xF7A  }
0x23: {  	s9 =	sor.u32 $0xD0000000, s2;
	s6 =	simm.s32 $0x108;
	_ =	swait.ge @!p0 [sflag:s8], $0x0  }
0x24: {  	s3 =	sadd.s32 $0x88, s3;
	s6 =	simm.s32 @!p1 $0x1082;
	[sflag:s4] =	ssyncset.s32 $0xFFFFF086  }
0x25: {  	[simem:s6], [sflag:s4] =	dma.local [hbm:s3], $0xF7A  }
0x26: {  	[smem:$0x3F9B] =	sst s1;
	(tag) =	ssettag s2;
	_ =	strace s9  }
0x27: {  	s1 =	sld [smem:$0x3FAB]  }
0x28: {  	s2 =	sld [smem:$0x3FAC]  }
0x29: {  	s4 =	sld [smem:$0x3FAE]  }
0x2a: {  	p0 =	seq.s32 s5, $0x0;
	s5 =	sld [smem:$0x3FAF]  }
0x2b: {  	s6 =	sld [smem:$0x3FB0]  }
0x2c: {  	s7 =	sld [smem:$0x3FB1]  }
0x2d: {  	s3 =	simm.s32 $0x108;
	s8 =	sld [smem:$0x3FB2]  }
0x2e: {  	s3 =	simm.s32 @!p0 $0x1082;
	s9 =	sld [smem:$0x3FB3]  }
0x2f: {  	lr =	sadd.s32 s0, s3;
	s0 =	sld [smem:$0x3FAA]  }
0x30: {  	s3 =	sld [smem:$0x3FAD]  }
0x31: {  	[smem:$0x3FB6] =	sst s10  }
0x32: {  	s10 =	sld [smem:$0x3FB4];
	_ =	sdelay $0x3  }
0x33: {  	p0 =	seq.s32 s10, $0x1;
	s10 =	sld [smem:$0x3FB6];
	_ =	sdelay $0x3  }
0x34: {  	[smem:$0x3FB6] =	sst s10  }
0x35: {  	s10 =	sld [smem:$0x3FB5];
	_ =	sdelay $0x3  }
0x36: {  	p1 =	seq.s32 s10, $0x1;
	s10 =	sld [smem:$0x3FB6];
	_ =	sdelay $0x3  }
0x37: {  	[smem:$0x3FB6] =	sst s10  }
0x38: {  	s10 =	sld [smem:$0x3FB7]  }
0x39: {  	_ = 	snop;
	(pc) =	sbr.ind lr, $3  }
0x3a: {  	_ = 	snop  }
0x3b: {  	_ = 	snop  }
0x3c: {  	p2 =	seq.s32 s10, $0x1;
	s10 =	sld [smem:$0x3FB6]  }
0x3d: {  	_ =	shalt  }
0x3e: {  	_ =	shalt  }
0x3f: {  	_ =	shalt  }
0x40: {  	_ =	shalt  }
0x41: {  	_ =	shalt  }
0x42: {  	_ =	shalt  }
0x43: {  	_ =	shalt  }
0x44: {  	_ =	shalt  }
0x45: {  	_ =	shalt  }
0x46: {  	_ =	shalt  }
0x47: {  	_ =	shalt  }
0x48: {  	_ =	shalt  }
0x49: {  	_ =	shalt  }
0x4a: {  	_ =	shalt  }
0x4b: {  	_ =	shalt  }
0x4c: {  	_ =	shalt  }
0x4d: {  	_ =	shalt  }
0x4e: {  	_ =	shalt  }
0x4f: {  	_ =	shalt  }
0x50: {  	_ =	shalt  }
0x51: {  	_ =	shalt  }
0x52: {  	_ =	shalt  }
0x53: {  	_ =	shalt  }
0x54: {  	_ =	shalt  }
0x55: {  	_ =	shalt  }
0x56: {  	_ =	shalt  }
0x57: {  	_ =	shalt  }
0x58: {  	_ =	shalt  }
0x59: {  	_ =	shalt  }
0x5a: {  	_ =	shalt  }
0x5b: {  	_ =	shalt  }
0x5c: {  	_ =	shalt  }
0x5d: {  	_ =	shalt  }
0x5e: {  	_ =	shalt  }
0x5f: {  	_ =	shalt  }
0x60: {  	_ =	shalt  }
0x61: {  	_ =	shalt  }
0x62: {  	_ =	shalt  }
0x63: {  	_ =	shalt  }
0x64: {  	_ =	shalt  }
0x65: {  	_ =	shalt  }
0x66: {  	_ =	shalt  }
0x67: {  	_ =	shalt  }
0x68: {  	_ =	shalt  }
0x69: {  	_ =	shalt  }
0x6a: {  	_ =	shalt  }
0x6b: {  	_ =	shalt  }
0x6c: {  	_ =	shalt  }
0x6d: {  	_ =	shalt  }
0x6e: {  	_ =	shalt  }
0x6f: {  	_ =	shalt  }
0x70: {  	_ =	shalt  }
0x71: {  	_ =	shalt  }
0x72: {  	_ =	shalt  }
0x73: {  	_ =	shalt  }
0x74: {  	_ =	shalt  }
0x75: {  	_ =	shalt  }
0x76: {  	_ =	shalt  }
0x77: {  	_ =	shalt  }
0x78: {  	_ =	shalt  }
0x79: {  	_ =	shalt  }
0x7a: {  	_ =	shalt  }
0x7b: {  	_ =	shalt  }
0x7c: {  	_ =	shalt  }
0x7d: {  	_ =	shalt  }
0x7e: {  	_ =	shalt  }
0x7f: {  	_ =	shalt  }
0x80: {  	_ =	shalt  }
0x81: {  	_ =	shalt  }
0x82: {  	_ =	shalt  }
0x83: {  	_ =	shalt  }
0x84: {  	_ =	shalt  }
0x85: {  	_ =	shalt  }
0x86: {  	_ =	shalt  }
0x87: {  	_ =	shalt  }
.Lfunc_end0:
.L_simem_size_0:
called_computation.2_lowered:
.L_overlay_start_0:
0x88: {  	s2 =	sld [smem:$0x3FD9]  }
0x89: {  	s3 =	sld [smem:$0x3FFE];
	_ =	sdelay $0x1  }
0x8a: {  	s1 =	srdreg.scid  }
0x8b: {  	s0 =	sand.u32 $0x1, s1  }
0x8c: {  	s17 =	sshll.u32 s0, $0xA;
	s2 =	sadd.s32 s3, s2  }
0x8d: {  	s2 =	sadd.s32 s2, s17  }
0x8e: {  	[smem:$0x3FC2] =	sst s2  }
0x8f: {  	_ = 	snop  }
0x90: {  	s2 =	sld [smem:$0x3FD0];
	(tm) =	ssettm $0x1  }
0x91: {  	s18 =	sld [smem:$0x3FFB];
	_ =	sdelay $0x3  }
0x92: {  	_ =	strace s18  }
0x93: {  	s3 =	sld [smem:$0x3FFC];
	_ =	sdelay $0x3  }
0x94: {  	_ =	strace s3  }
0x95: {  	s3 =	sld [smem:$0x3FFD];
	_ =	sdelay $0x3  }
0x96: {  	_ =	strace s3  }
0x97: {  	_ =	strace $0x8FFFFFFF  }
0x98: {  	s19 =	sld [smem:$0x3FDB];
	_ =	sdelay $0x1  }
0x99: {  	s4 =	simm.s32 $_scs_section_size  }
0x9a: {  	s5 =	simm.s32 $_size__tile_overlayer_lowered;
	s6 =	simm.s32 $_tile_overlayer_lowered  }
0x9b: {  	s22 =	simm.s32 $0x1BFF;
	s21 =	sshll.u32 s6, $0x1;
	s3 =	sadd.s32 s4, s19  }
0x9c: {  	s7 =	simm.s32 $0x0;
	s20 =	sshll.u32 s5, $0x1;
	s5 =	sadd.s32 s21, s3  }
0x9d: {  	[timem:s7], [sflag:s22] =	dma.local [hbm:s5], s20  }
0x9e: {  	_ =	swait.ge [sflag:s22], s20  }
0x9f: {  	s4 =	ssub.s32 $0x0, s20;
	[sflag:s22] =	ssyncset.done $0x0  }
0xa0: {  	[sflag:s22] =	ssyncadd.s32 s4;
	_ =	sdelay $0x1  }
0xa1: {  	s23 =	simm.s32 $0x1B8B  }
0xa2: {  	_ =	swait.ge [sflag:s23], $0x1  }
0xa3: {  	[sflag:s23] =	ssyncset.done $0x0  }
0xa4: {  	s25 =	simm.s32 $0x1B8E;
	s24 =	sld [smem:$0x3FFE];
	[sflag:s23] =	ssyncadd.s32 $0xFFFFFFFF  }
0xa5: {  	s26 =	simm.s32 $execute0_lowered;
	[smem:$0x3FD2] =	sst s25  }
0xa6: {  	s5 =	sshll.u32 s26, $0x1;
	_ =	strace $0x8000004C;
	[dreg:$0x1] =	wrdreg $0xFFFFFFFF  }
0xa7: {  	s28 =	simm.s32 $_size_execute0_lowered;
	s3 =	sadd.s32 s3, s5;
	[dreg:$0x0] =	wrdreg $0x0  }
0xa8: {  	s5 =	sshll.u32 s28, $0x1;
	[dreg:$0x2] =	wrdreg s3  }
0xa9: {  	[dreg:$0x3] =	wrdreg s5  }
0xaa: {  	[dreg:$0x4] =	wrdreg $0xC0  }
0xab: {  	_ =	task [dreg:s7], $0x5FFFF  }
0xac: {  	[dreg:$0x1] =	wrdreg $0xFFFFFFFF  }
0xad: {  	[dreg:$0x0] =	wrdreg $0x60  }
0xae: {  	[dreg:$0x2] =	wrdreg s2  }
0xaf: {  	[dreg:$0x3] =	wrdreg s24  }
0xb0: {  	[dreg:$0x4] =	wrdreg $0x50000  }
0xb1: {  	[dreg:$0x5] =	wrdreg $0x9  }
0xb2: {  	_ =	task.clear_ibuf [dreg:s7], $0x6FFFF;
	_ =	strace $0x9000004C  }
0xb3: {  	s29 =	simm.s32 $0x9;
	_ =	strace $0x8000004E  }
0xb4: {  	_ =	swait.ge [sflag:s29], $0x1  }
0xb5: {  	[sflag:s29] =	ssyncadd.s32 $0xFFFFFFFF  }
0xb6: {  	_ =	strace $0x9000004E  }
0xb7: {  	_ =	sfence  }
0xb8: {  	s30 =	sld [smem:$0x0];
	_ =	sdelay $0x2  }
0xb9: {  	s31 =	sshll.u32 s1, $0xD;
	s1 =	sshrl.u32 s1, $0x2  }
0xba: {  	s3 =	sand.u32 $0x4000, s31;
	s1 =	sadd.s32 s1, s30  }
0xbb: {  	s0 =	sor.u32 s3, s0;
	s1 =	sshll.u32 s1, $0x11  }
0xbc: {  	s0 =	sor.u32 s1, s0  }
0xbd: {  	s0 =	sadd.s32 $0x8F2B, s0  }
0xbe: {  	[sflag:s0] =	ssyncadd.remote.s32 $0x1  }
0xbf: {  	_ =	sfence.sel $0xFFFF  }
0xc0: {  	[dreg:$0x0] =	wrdreg $0xFFFFFFFF;
	(pc) =	sbr.abs _section_cstart, $3  }
0xc1: {  	[dreg:$0x1] =	wrdreg $0xFFFFFFFF  }
0xc2: {  	_ =	task.clear_ibuf [dreg:s7], $0x2FFFF;
	_ =	strace $0x9FFFFFFF  }
0xc3: {  	(tm) =	ssettm $0x7FFFFFFF  }
tec
execute0_lowered:
.L_overlay_start_1:
0x0: {  	(tag) =	ssettag $0x1  }
0x1: {  	s2 =	rddreg [dreg:$0x0]  }
0x2: {  	s0 =	rddreg [dreg:$0x1]  }
0x3: {  	s3 =	rddreg [dreg:$0x2];
	s10 =	stileid.u32  }
0x4: {  	s1 =	srdreg.scid;
	s11 =	simm.s32 $0x0;
	s13 =	simm.s32 $0x9  }
0x5: {  	s15 =	simm.s32 $0x10;
	s16 =	simm.s32 $0x1000;
	s17 =	simm.s32 $0x1800  }
0x6: {  	s19 =	simm.s32 $0x2000;
	s21 =	simm.s32 $0x2800;
	s28 =	simm.s32 $0x2  }
0x7: {  	s29 =	simm.s32 $0x3;
	s30 =	simm.s32 $0x4;
	s31 =	simm.s32 $0x40  }
0x8: {  	s18 =	simm.s32 $0xF80;
	s4 =	smul.u32 $0x14000, s10;
	s1 =	sand.u32 $0x1, s1  }
0x9: {  	[smem:$0x7FF] =	sst s11;
	s5 =	sadd.s32 $0x8DC00, s0;
	s9 =	smul.u32 $0x50000, s10  }
0xa: {  	s6 =	sadd.s32 $0x1C00, s0;
	s25 =	sshll.u32 s10, $0x6;
	s7 =	smul.u32 $0x140000, s1  }
0xb: {  	_ =	strace $0x8000004D;
	s22 =	ssub.s32 $0x2, s1;
	s1 =	sshll.u32 s1, $0x4  }
0xc: {  	s8 =	sshrl.u32 s4, $0x3;
	s23 =	sshrl.u32 s22, $0x1;
	s1 =	sor.u32 s10, s1  }
0xd: {  	s24 =	sshrl.u32 s9, $0x2;
	s10 =	simm.s32 $0x8;
	s8 =	sadd.s32 s8, s0  }
0xe: {  	s4 =	sadd.s32 s4, s7;
	s7 =	sadd.s32 s24, s3;
	s9 =	smul.u32 $0x5000, s1  }
0xf: {  	s24 =	simm.s32 $0x4000;
	s1 =	simm.s32 $0x6;
	s4 =	sshrl.u32 s4, $0x3  }
0x10: {  	s8 =	sadd.s32 $0x15C00, s8;
	s12 =	sshrl.u32 s7, $0x3;
	s7 =	simm.s32 $0x7  }
0x11: {  	s0 =	sadd.s32 s4, s0;
	s4 =	ssub.s32 s22, s23;
	[dreg:$0x5] =	wrdreg s8  }
0x12: {  	s8 =	sor.u32 $0x1C09, s25;
	s22 =	simm.s32 $0x3000;
	[dreg:$0x9] =	wrdreg s12  }
0x13: {  	s23 =	simm.s32 $0x3800;
	s0 =	sadd.s32 $0xA1C00, s0;
	[dreg:$0x6] =	wrdreg s8  }
0x14: {  	s25 =	simm.s32 $0x4800;
	s26 =	smax.u32 s4, $0x1;
	[dreg:$0x7] =	wrdreg s0  }
0x15: {  	[dreg:$0x8] =	wrdreg s26;
	s26 =	simm.s32 $0x1;
	s0 =	simm.s32 $0x5  }
.LBB2_1:
0x16: {  	[dreg:$0x4] =	wrdreg s11  }
0x17: {  	s4 =	rddreg [dreg:$0x5]  }
0x18: {  	[spmem:s12], [sflag:s8] =	dma.local [hbm:s4], $0x2800  }
0x19: {  	_ =	swait.ge [sflag:s13], $0x2800  }
0x1a: {  	[sflag:s13] =	ssyncset.done $0x0  }
0x1b: {  	[sflag:s13] =	ssyncadd.s32 $0xFFFFD800  }
0x1c: {  	s20 =	simm.s32 $0x0;
	[bflag:$0x0] =	sbarrier.arrive $0xFFFF  }
.LBB2_2:
0x1d: {  	s4 =	sshll.u32 s20, $0xB  }
0x1e: {  	s4 =	sadd.s32 s9, s4  }
0x1f: {  	s4 =	sshrl.u32 s4, $0x3  }
0x20: {  	s11 =	simm.s32 $0x0;
	s8 =	sadd.s32 s5, s4  }
0x21: {  	[tilespmem:s11], [sflag:$0x9] =	stream.linear.gather [hbm4b:s8+s11], $0x800, $0x38;
	[tilespmem:$0x19000] =	vst v63  }
0x22: {  	_ =	swait.ge [sflag:s13], $0x800  }
0x23: {  	[sflag:s13] =	ssyncset.done $0x0  }
0x24: {  	s14 =	simm.s32 $0x800;
	s4 =	sadd.s32 s6, s4;
	[sflag:s13] =	ssyncadd.s32 $0xFFFFF800  }
0x25: {  	[tilespmem:s14], [sflag:$0x9] =	stream.linear.gather [hbm4b:s4+s11], $0x800, $0x38;
	[tilespmem:$0x19000] =	vst v63  }
0x26: {  	_ =	swait.ge [sflag:s13], $0x800  }
0x27: {  	[sflag:s13] =	ssyncset.done $0x0  }
0x28: {  	[sflag:s13] =	ssyncadd.s32 $0xFFFFF800  }
0x29: {  	[tilespmem:s16], [sflag:$0x1] =	stream.indirect.gather [hbm4b:s2+s15], $0x80, s11, s15, $0xb8;
	[tilespmem:$0x19000] =	vst v63  }
0x2a: {  	_ = 	snop  }
0x2b: {  	[tilespmem:s17], [sflag:$0x2] =	stream.indirect.gather [hbm4b:s2+s15], $0x80, s15, s15, $0xb8;
	[tilespmem:$0x19000] =	vst v63  }
0x2c: {  	s8 =	simm.s32 $0x20  }
0x2d: {  	[tilespmem:s19], [sflag:$0x3] =	stream.indirect.gather [hbm4b:s2+s15], $0x80, s8, s15, $0xb8;
	[tilespmem:$0x19000] =	vst v63  }
0x2e: {  	s11 =	simm.s32 $0x30  }
0x2f: {  	[tilespmem:s21], [sflag:$0x4] =	stream.indirect.gather [hbm4b:s2+s15], $0x80, s11, s15, $0xb8;
	[tilespmem:$0x19000] =	vst v63  }
0x30: {  	s12 =	simm.s32 $0x80  }
0x31: {  	[tilespmem:s22], [sflag:$0x5] =	stream.indirect.gather [hbm4b:s2+s15], $0x80, s12, s15, $0xb8;
	[tilespmem:$0x19000] =	vst v63  }
0x32: {  	s14 =	simm.s32 $0x90  }
0x33: {  	[tilespmem:s23], [sflag:$0x6] =	stream.indirect.gather [hbm4b:s2+s15], $0x80, s14, s15, $0xb8;
	[tilespmem:$0x19000] =	vst v63  }
0x34: {  	s8 =	simm.s32 $0xA0  }
0x35: {  	[tilespmem:s24], [sflag:$0x7] =	stream.indirect.gather [hbm4b:s2+s15], $0x80, s8, s15, $0xb8;
	[tilespmem:$0x19000] =	vst v63  }
0x36: {  	s11 =	simm.s32 $0xB0  }
0x37: {  	[tilespmem:s25], [sflag:$0x8] =	stream.indirect.gather [hbm4b:s2+s15], $0x80, s11, s15, $0xb8;
	[tilespmem:$0x19000] =	vst v63  }
0x38: {  	_ =	swait.ge [sflag:s26], $0x800  }
0x39: {  	[sflag:s26] =	ssyncset.done $0x0  }
0x3a: {  	[sflag:s26] =	ssyncadd.s32 $0xFFFFF800  }
0x3b: {  	_ =	swait.ge [sflag:s28], $0x800  }
0x3c: {  	[sflag:s28] =	ssyncset.done $0x0  }
0x3d: {  	[sflag:s28] =	ssyncadd.s32 $0xFFFFF800  }
0x3e: {  	_ =	swait.ge [sflag:s29], $0x800  }
0x3f: {  	[sflag:s29] =	ssyncset.done $0x0  }
0x40: {  	[sflag:s29] =	ssyncadd.s32 $0xFFFFF800  }
0x41: {  	_ =	swait.ge [sflag:s30], $0x800  }
0x42: {  	[sflag:s30] =	ssyncset.done $0x0  }
0x43: {  	s12 =	simm.s32 $0x800;
	[sflag:s30] =	ssyncadd.s32 $0xFFFFF800  }
0x44: {  	[spmem:s3] =	stream.indirect.scatter.add.f32 [tilespmem:s16], [sflag:$0x9], $0x80, s12, s31, $0xb8;
	[tilespmem:$0x19000] =	vst v63  }
0x45: {  	_ =	swait.ge [sflag:s13], $0x2000  }
0x46: {  	[sflag:s13] =	ssyncset.done $0x0  }
0x47: {  	s14 =	simm.s32 $0x100;
	[sflag:s13] =	ssyncadd.s32 $0xFFFFE000  }
0x48: {  	[tilespmem:s16], [sflag:$0x1] =	stream.indirect.gather [hbm4b:s2+s15], $0x80, s14, s15, $0xb8;
	[tilespmem:$0x19000] =	vst v63  }
0x49: {  	s8 =	simm.s32 $0x110  }
0x4a: {  	[tilespmem:s17], [sflag:$0x2] =	stream.indirect.gather [hbm4b:s2+s15], $0x80, s8, s15, $0xb8;
	[tilespmem:$0x19000] =	vst v63  }
0x4b: {  	s11 =	simm.s32 $0x120  }
0x4c: {  	[tilespmem:s19], [sflag:$0x3] =	stream.indirect.gather [hbm4b:s2+s15], $0x80, s11, s15, $0xb8;
	[tilespmem:$0x19000] =	vst v63  }
0x4d: {  	s12 =	simm.s32 $0x130  }
0x4e: {  	[tilespmem:s21], [sflag:$0x4] =	stream.indirect.gather [hbm4b:s2+s15], $0x80, s12, s15, $0xb8;
	[tilespmem:$0x19000] =	vst v63  }
0x4f: {  	_ =	swait.ge [sflag:s0], $0x800  }
0x50: {  	[sflag:s0] =	ssyncset.done $0x0  }
0x51: {  	[sflag:s0] =	ssyncadd.s32 $0xFFFFF800  }
0x52: {  	_ =	swait.ge [sflag:s1], $0x800  }
0x53: {  	[sflag:s1] =	ssyncset.done $0x0  }
0x54: {  	[sflag:s1] =	ssyncadd.s32 $0xFFFFF800  }
0x55: {  	_ =	swait.ge [sflag:s7], $0x800  }
0x56: {  	[sflag:s7] =	ssyncset.done $0x0  }
0x57: {  	[sflag:s7] =	ssyncadd.s32 $0xFFFFF800  }
0x58: {  	_ =	swait.ge [sflag:s10], $0x800  }
0x59: {  	[sflag:s10] =	ssyncset.done $0x0  }
0x5a: {  	s14 =	simm.s32 $0x880;
	[sflag:s10] =	ssyncadd.s32 $0xFFFFF800  }
0x5b: {  	[spmem:s3] =	stream.indirect.scatter.add.f32 [tilespmem:s22], [sflag:$0x9], $0x80, s14, s31, $0xb8;
	[tilespmem:$0x19000] =	vst v63  }
0x5c: {  	_ =	swait.ge [sflag:s13], $0x2000  }
0x5d: {  	s8 =	simm.s32 $0x800;
	s11 =	simm.s32 $0x100;
	[sflag:s13] =	ssyncset.done $0x0  }
.LBB2_3:
0x5e: {  	s14 =	sadd.s32 $0x80, s11  }
0x5f: {  	[sflag:s13] =	ssyncadd.s32 $0xFFFFE000;
	s12 =	smov.u32 s8;
	s4 =	sadd.s32 $0x400, s8  }
0x60: {  	[tilespmem:s22], [sflag:$0x5] =	stream.indirect.gather [hbm4b:s2+s15], $0x80, s14, s15, $0xb8;
	[tilespmem:$0x19000] =	vst v63  }
0x61: {  	p0 =	sne.s32 s8, $0x1800;
	s8 =	sadd.s32 $0x90, s11  }
0x62: {  	[tilespmem:s23], [sflag:$0x6] =	stream.indirect.gather [hbm4b:s2+s15], $0x80, s8, s15, $0xb8;
	[tilespmem:$0x19000] =	vst v63  }
0x63: {  	s8 =	sadd.s32 $0xA0, s11  }
0x64: {  	[tilespmem:s24], [sflag:$0x7] =	stream.indirect.gather [hbm4b:s2+s15], $0x80, s8, s15, $0xb8;
	[tilespmem:$0x19000] =	vst v63  }
0x65: {  	s8 =	sadd.s32 $0xB0, s11  }
0x66: {  	[tilespmem:s25], [sflag:$0x8] =	stream.indirect.gather [hbm4b:s2+s15], $0x80, s8, s15, $0xb8;
	[tilespmem:$0x19000] =	vst v63  }
0x67: {  	_ =	swait.ge [sflag:s26], $0x800  }
0x68: {  	[sflag:s26] =	ssyncset.done $0x0  }
0x69: {  	[sflag:s26] =	ssyncadd.s32 $0xFFFFF800  }
0x6a: {  	_ =	swait.ge [sflag:s28], $0x800  }
0x6b: {  	[sflag:s28] =	ssyncset.done $0x0  }
0x6c: {  	[sflag:s28] =	ssyncadd.s32 $0xFFFFF800  }
0x6d: {  	_ =	swait.ge [sflag:s29], $0x800  }
0x6e: {  	[sflag:s29] =	ssyncset.done $0x0  }
0x6f: {  	[sflag:s29] =	ssyncadd.s32 $0xFFFFF800  }
0x70: {  	_ =	swait.ge [sflag:s30], $0x800  }
0x71: {  	[sflag:s30] =	ssyncset.done $0x0  }
0x72: {  	s8 =	sadd.s32 $0x800, s11;
	[sflag:s30] =	ssyncadd.s32 $0xFFFFF800  }
0x73: {  	[spmem:s3] =	stream.indirect.scatter.add.f32 [tilespmem:s16], [sflag:$0x9], $0x80, s8, s31, $0xb8;
	[tilespmem:$0x19000] =	vst v63  }
0x74: {  	_ =	swait.ge [sflag:s13], $0x2000  }
0x75: {  	[sflag:s13] =	ssyncset.done $0x0  }
0x76: {  	s8 =	sadd.s32 $0x100, s11;
	[sflag:s13] =	ssyncadd.s32 $0xFFFFE000  }
0x77: {  	[tilespmem:s16], [sflag:$0x1] =	stream.indirect.gather [hbm4b:s2+s15], $0x80, s8, s15, $0xb8;
	[tilespmem:$0x19000] =	vst v63  }
0x78: {  	s8 =	sadd.s32 $0x110, s11  }
0x79: {  	[tilespmem:s17], [sflag:$0x2] =	stream.indirect.gather [hbm4b:s2+s15], $0x80, s8, s15, $0xb8;
	[tilespmem:$0x19000] =	vst v63  }
0x7a: {  	s8 =	sadd.s32 $0x120, s11  }
0x7b: {  	[tilespmem:s19], [sflag:$0x3] =	stream.indirect.gather [hbm4b:s2+s15], $0x80, s8, s15, $0xb8;
	[tilespmem:$0x19000] =	vst v63  }
0x7c: {  	s8 =	sadd.s32 $0x130, s11  }
0x7d: {  	[tilespmem:s21], [sflag:$0x4] =	stream.indirect.gather [hbm4b:s2+s15], $0x80, s8, s15, $0xb8;
	[tilespmem:$0x19000] =	vst v63  }
0x7e: {  	_ =	swait.ge [sflag:s0], $0x800  }
0x7f: {  	[sflag:s0] =	ssyncset.done $0x0  }
0x80: {  	[sflag:s0] =	ssyncadd.s32 $0xFFFFF800  }
0x81: {  	_ =	swait.ge [sflag:s1], $0x800  }
0x82: {  	[sflag:s1] =	ssyncset.done $0x0  }
0x83: {  	[sflag:s1] =	ssyncadd.s32 $0xFFFFF800  }
0x84: {  	_ =	swait.ge [sflag:s7], $0x800  }
0x85: {  	[sflag:s7] =	ssyncset.done $0x0  }
0x86: {  	[sflag:s7] =	ssyncadd.s32 $0xFFFFF800  }
0x87: {  	_ =	swait.ge [sflag:s10], $0x800  }
.Ltmp0:
0x88: {  	[sflag:s10] =	ssyncset.done $0x0;
	(pc) =	sbr.rel @p0 .LBB2_3-.Ltmp0, $4  }
0x89: {  	s8 =	sadd.s32 $0x880, s11;
	[sflag:s10] =	ssyncadd.s32 $0xFFFFF800  }
0x8a: {  	[spmem:s3] =	stream.indirect.scatter.add.f32 [tilespmem:s22], [sflag:$0x9], $0x80, s8, s31, $0xb8;
	[tilespmem:$0x19000] =	vst v63  }
0x8b: {  	_ =	swait.ge [sflag:s13], $0x2000  }
0x8c: {  	s11 =	sshra.s32 s12, $0x2;
	s8 =	smov.u32 s4;
	[sflag:s13] =	ssyncset.done $0x0  }
0x8d: {  	s4 =	sadd.s32 $0x80, s11;
	[sflag:s13] =	ssyncadd.s32 $0xFFFFE000  }
0x8e: {  	[tilespmem:s22], [sflag:$0x5] =	stream.indirect.gather [hbm4b:s2+s15], $0x80, s4, s15, $0xb8;
	[tilespmem:$0x19000] =	vst v63  }
0x8f: {  	s14 =	sadd.s32 $0x90, s11  }
0x90: {  	[tilespmem:s23], [sflag:$0x6] =	stream.indirect.gather [hbm4b:s2+s15], $0x80, s14, s15, $0xb8;
	[tilespmem:$0x19000] =	vst v63  }
0x91: {  	s8 =	sadd.s32 $0xA0, s11  }
0x92: {  	[tilespmem:s24], [sflag:$0x7] =	stream.indirect.gather [hbm4b:s2+s15], $0x80, s8, s15, $0xb8;
	[tilespmem:$0x19000] =	vst v63  }
0x93: {  	s12 =	sadd.s32 $0xB0, s11  }
0x94: {  	[tilespmem:s25], [sflag:$0x8] =	stream.indirect.gather [hbm4b:s2+s15], $0x80, s12, s15, $0xb8;
	[tilespmem:$0x19000] =	vst v63  }
0x95: {  	_ =	swait.ge [sflag:s26], $0x800  }
0x96: {  	[sflag:s26] =	ssyncset.done $0x0  }
0x97: {  	[sflag:s26] =	ssyncadd.s32 $0xFFFFF800  }
0x98: {  	_ =	swait.ge [sflag:s28], $0x800  }
0x99: {  	[sflag:s28] =	ssyncset.done $0x0  }
0x9a: {  	[sflag:s28] =	ssyncadd.s32 $0xFFFFF800  }
0x9b: {  	_ =	swait.ge [sflag:s29], $0x800  }
0x9c: {  	[sflag:s29] =	ssyncset.done $0x0  }
0x9d: {  	[sflag:s29] =	ssyncadd.s32 $0xFFFFF800  }
0x9e: {  	_ =	swait.ge [sflag:s30], $0x800  }
0x9f: {  	[sflag:s30] =	ssyncset.done $0x0  }
0xa0: {  	s14 =	sadd.s32 $0x800, s11;
	[sflag:s30] =	ssyncadd.s32 $0xFFFFF800  }
0xa1: {  	[spmem:s3] =	stream.indirect.scatter.add.f32 [tilespmem:s16], [sflag:$0x9], $0x80, s14, s31, $0xb8;
	[tilespmem:$0x19000] =	vst v63  }
0xa2: {  	_ =	swait.ge [sflag:s13], $0x2000  }
0xa3: {  	[sflag:s13] =	ssyncset.done $0x0  }
0xa4: {  	s8 =	sadd.s32 $0x100, s11;
	[sflag:s13] =	ssyncadd.s32 $0xFFFFE000  }
0xa5: {  	[tilespmem:s16], [sflag:$0x1] =	stream.indirect.gather [hbm4b:s2+s15], $0x80, s8, s15, $0xb8;
	[tilespmem:$0x19000] =	vst v63  }
0xa6: {  	s12 =	sadd.s32 $0x110, s11  }
0xa7: {  	[tilespmem:s17], [sflag:$0x2] =	stream.indirect.gather [hbm4b:s2+s15], $0x80, s12, s15, $0xb8;
	[tilespmem:$0x19000] =	vst v63  }
0xa8: {  	s14 =	sadd.s32 $0x120, s11  }
0xa9: {  	[tilespmem:s19], [sflag:$0x3] =	stream.indirect.gather [hbm4b:s2+s15], $0x80, s14, s15, $0xb8;
	[tilespmem:$0x19000] =	vst v63  }
0xaa: {  	s8 =	sadd.s32 $0x130, s11  }
0xab: {  	[tilespmem:s21], [sflag:$0x4] =	stream.indirect.gather [hbm4b:s2+s15], $0x80, s8, s15, $0xb8;
	[tilespmem:$0x19000] =	vst v63  }
0xac: {  	_ =	swait.ge [sflag:s0], $0x800  }
0xad: {  	[sflag:s0] =	ssyncset.done $0x0  }
0xae: {  	[sflag:s0] =	ssyncadd.s32 $0xFFFFF800  }
0xaf: {  	_ =	swait.ge [sflag:s1], $0x800  }
0xb0: {  	[sflag:s1] =	ssyncset.done $0x0  }
0xb1: {  	[sflag:s1] =	ssyncadd.s32 $0xFFFFF800  }
0xb2: {  	_ =	swait.ge [sflag:s7], $0x800  }
0xb3: {  	[sflag:s7] =	ssyncset.done $0x0  }
0xb4: {  	[sflag:s7] =	ssyncadd.s32 $0xFFFFF800  }
0xb5: {  	_ =	swait.ge [sflag:s10], $0x800  }
0xb6: {  	[sflag:s10] =	ssyncset.done $0x0  }
0xb7: {  	s12 =	sadd.s32 $0x880, s11;
	[sflag:s10] =	ssyncadd.s32 $0xFFFFF800  }
0xb8: {  	[spmem:s3] =	stream.indirect.scatter.add.f32 [tilespmem:s22], [sflag:$0x9], $0x80, s12, s31, $0xb8;
	[tilespmem:$0x19000] =	vst v63  }
0xb9: {  	_ =	swait.ge [sflag:s13], $0x2000  }
0xba: {  	[sflag:s13] =	ssyncset.done $0x0  }
0xbb: {  	s14 =	simm.s32 $0x780;
	[sflag:s13] =	ssyncadd.s32 $0xFFFFE000  }
0xbc: {  	[tilespmem:s22], [sflag:$0x5] =	stream.indirect.gather [hbm4b:s2+s15], $0x80, s14, s15, $0xb8;
	[tilespmem:$0x19000] =	vst v63  }
0xbd: {  	s8 =	simm.s32 $0x790  }
0xbe: {  	[tilespmem:s23], [sflag:$0x6] =	stream.indirect.gather [hbm4b:s2+s15], $0x80, s8, s15, $0xb8;
	[tilespmem:$0x19000] =	vst v63  }
0xbf: {  	s11 =	simm.s32 $0x7A0  }
0xc0: {  	[tilespmem:s24], [sflag:$0x7] =	stream.indirect.gather [hbm4b:s2+s15], $0x80, s11, s15, $0xb8;
	[tilespmem:$0x19000] =	vst v63  }
0xc1: {  	s12 =	simm.s32 $0x7B0  }
0xc2: {  	[tilespmem:s25], [sflag:$0x8] =	stream.indirect.gather [hbm4b:s2+s15], $0x80, s12, s15, $0xb8;
	[tilespmem:$0x19000] =	vst v63  }
0xc3: {  	_ =	swait.ge [sflag:s26], $0x800  }
0xc4: {  	[sflag:s26] =	ssyncset.done $0x0  }
0xc5: {  	[sflag:s26] =	ssyncadd.s32 $0xFFFFF800  }
0xc6: {  	_ =	swait.ge [sflag:s28], $0x800  }
0xc7: {  	[sflag:s28] =	ssyncset.done $0x0  }
0xc8: {  	[sflag:s28] =	ssyncadd.s32 $0xFFFFF800  }
0xc9: {  	_ =	swait.ge [sflag:s29], $0x800  }
0xca: {  	[sflag:s29] =	ssyncset.done $0x0  }
0xcb: {  	[sflag:s29] =	ssyncadd.s32 $0xFFFFF800  }
0xcc: {  	_ =	swait.ge [sflag:s30], $0x800  }
0xcd: {  	[sflag:s30] =	ssyncset.done $0x0  }
0xce: {  	s14 =	simm.s32 $0xF00;
	[sflag:s30] =	ssyncadd.s32 $0xFFFFF800  }
0xcf: {  	[spmem:s3] =	stream.indirect.scatter.add.f32 [tilespmem:s16], [sflag:$0x9], $0x80, s14, s31, $0xb8;
	[tilespmem:$0x19000] =	vst v63  }
0xd0: {  	_ =	swait.ge [sflag:s13], $0x2000  }
0xd1: {  	[sflag:s13] =	ssyncset.done $0x0  }
0xd2: {  	[sflag:s13] =	ssyncadd.s32 $0xFFFFE000  }
0xd3: {  	_ =	swait.ge [sflag:s0], $0x800  }
0xd4: {  	[sflag:s0] =	ssyncset.done $0x0  }
0xd5: {  	[sflag:s0] =	ssyncadd.s32 $0xFFFFF800  }
0xd6: {  	_ =	swait.ge [sflag:s1], $0x800  }
0xd7: {  	[sflag:s1] =	ssyncset.done $0x0  }
0xd8: {  	[sflag:s1] =	ssyncadd.s32 $0xFFFFF800  }
0xd9: {  	_ =	swait.ge [sflag:s7], $0x800  }
0xda: {  	[sflag:s7] =	ssyncset.done $0x0  }
0xdb: {  	[sflag:s7] =	ssyncadd.s32 $0xFFFFF800  }
0xdc: {  	s20 =	sadd.s32 $0x1, s20;
	_ =	swait.ge [sflag:s10], $0x800  }
0xdd: {  	p0 =	sne.s32 s20, $0xA;
	[sflag:s10] =	ssyncset.done $0x0  }
.Ltmp1:
0xde: {  	[sflag:s10] =	ssyncadd.s32 $0xFFFFF800;
	(pc) =	sbr.rel @p0 .LBB2_2-.Ltmp1, $4  }
0xdf: {  	[spmem:s3] =	stream.indirect.scatter.add.f32 [tilespmem:s22], [sflag:$0x9], $0x80, s18, s31, $0xb8;
	[tilespmem:$0x19000] =	vst v63  }
0xe0: {  	_ =	swait.ge [sflag:s13], $0x2000  }
0xe1: {  	[sflag:s13] =	ssyncset.done $0x0  }
0xe2: {  	[sflag:s13] =	ssyncadd.s32 $0xFFFFE000  }
0xe3: {  	[bflag:$0x0] =	sbarrier.arrive $0xFFFF  }
0xe4: {  	s8 =	rddreg [dreg:$0x6]  }
0xe5: {  	s4 =	rddreg [dreg:$0x7]  }
0xe6: {  	s12 =	rddreg [dreg:$0x9]  }
0xe7: {  	[hbm:s4], [sflag:s8] =	dma.local [spmem:s12], $0x2800  }
0xe8: {  	_ =	swait.ge [sflag:s13], $0x2800  }
0xe9: {  	s11 =	rddreg [dreg:$0x4]  }
0xea: {  	s20 =	rddreg [dreg:$0x8];
	s11 =	sadd.s32 $0x1, s11  }
0xeb: {  	p0 =	sne.s32 s11, s20  }
.Ltmp2:
0xec: {  	_ = 	snop;
	(pc) =	sbr.rel @p0 .LBB2_1-.Ltmp2, $3  }
0xed: {  	_ =	sdelay $0x1  }
0xee: {  	[sflag:s13] =	ssyncset.done $0x0  }
0xef: {  	[sflag:s13] =	ssyncadd.s32 $0xFFFFD800  }
0xf0: {  	_ =	sfence.sel $0x180000  }
0xf1: {  	[bflag:$0x0] =	sbarrier.arrive $0xFFFF  }
0xf2: {  	_ =	strace $0x9000004D  }
0xf3: {  	s0 =	stileid.u32;
	[bflag:$0x2] =	sbarrier.arrive $0xFFFF  }
0xf4: {  	p0 =	sne.s32 s0, $0x0;
	s0 =	rddreg [dreg:$0x3]  }
0xf5: {  	s0 =	sadd.s32 @!p0 $0x100000, s0  }
0xf6: {  	[sflag:s0] =	ssyncadd.tile.s32 @!p0 $0x1;
	_ =	shalt  }
.Lfunc_end2:
_tile_overlayer_lowered:
.L_overlay_start_2:
0xf7: {  	(tag) =	ssettag $0x2  }
0xf8: {  	s0 =	rddreg [dreg:$0x0];
	s2 =	stileid.u32  }
0xf9: {  	s1 =	rddreg [dreg:$0x1];
	p0 =	sne.s32 s2, $0x0  }
0xfa: {  	s3 =	rddreg [dreg:$0x2];
	[bflag:$0x3] =	sbarrier.arrive $0xFFFF;
	s2 =	simm.s32 @!p0 $0x1C09  }
0xfb: {  	[timem:s3], [sflag:s2] =	dma.local @!p0 [hbm:s0], s1  }
0xfc: {  	s0 =	simm.s32 @!p0 $0x9  }
0xfd: {  	_ =	swait.ge @!p0 [sflag:s0], s1  }
0xfe: {  	s1 =	ssub.s32 @!p0 $0x0, s1;
	[sflag:s0] =	ssyncset.done @!p0 $0x0  }
0xff: {  	[sflag:s0] =	ssyncadd.s32 @!p0 s1  }
0x100: {  	[bflag:$0x3] =	sbarrier.arrive $0xFFFF  }
0x101: {  	_ =	shalt  }

// kernel: kernel.7.cloned.1.call-start
scs
__scs_entry_jumppad:
0x0: {  	(pc) =	sbr.rel $0x88, $3  }
0x1: {  	(tag) =	ssettag $0x0;
	lr =	simm.s32 $0x1  }
0x2: {  	[smem:$0x3F9B] =	sst lr;
	_ =	strace $0xD0000000  }
0x3: {  	_ = 	snop  }
0x4: {  	_ = 	snop  }
0x5: {  	_ = 	snop  }
0x6: {  	_ = 	snop  }
0x7: {  	_ = 	snop  }
__scs_overlays_trampoline_lowered:
0x8: {  	[smem:$0x3FAA] =	sst s0  }
0x9: {  	[smem:$0x3FAB] =	sst s1  }
0xa: {  	[smem:$0x3FAC] =	sst s2  }
0xb: {  	[smem:$0x3FAD] =	sst s3  }
0xc: {  	[smem:$0x3FAE] =	sst s4  }
0xd: {  	[smem:$0x3FAF] =	sst s5  }
0xe: {  	[smem:$0x3FB0] =	sst s6  }
0xf: {  	[smem:$0x3FB1] =	sst s7  }
0x10: {  	[smem:$0x3FB2] =	sst s8  }
0x11: {  	[smem:$0x3FB3] =	sst s9;
	s0 =	simm.s32 @!p0 $0x0  }
0x12: {  	s1 =	sld [smem:$0x3F99];
	s0 =	simm.s32 @p0 $0x1  }
0x13: {  	[smem:$0x3FB4] =	sst s0;
	s0 =	simm.s32 @!p1 $0x0  }
0x14: {  	s2 =	sld [smem:$0x3F98];
	s0 =	simm.s32 @p1 $0x1  }
0x15: {  	[smem:$0x3FB5] =	sst s0;
	s0 =	simm.s32 @!p2 $0x0  }
0x16: {  	s3 =	sld [smem:$0x3FDB];
	s0 =	simm.s32 @p2 $0x1  }
0x17: {  	s4 =	simm.s32 $0x1BF5;
	[smem:$0x3FB7] =	sst s0  }
0x18: {  	s0 =	sld [smem:$0x3F9A];
	_ =	swait.ge [sflag:s4], $0x0  }
0x19: {  	s7 =	sld [smem:$0x3F9B]  }
0x1a: {  	s8 =	sadd.s32 $0xFFFFE003, lr  }
0x1b: {  	s9 =	sadd.s32 $0xFFFFFEF7, lr;
	s5 =	simm.s32 $0xFFFFFFFF;
	p2 =	slt.u32 s8, $0xFFFFF086  }
0x1c: {  	p1 =	slt.u32 s9, $0xF7A;
	s5 =	simm.s32 @!p2 $0x0  }
0x1d: {  	s5 =	simm.s32 @p1 $0x1;
	p0 =	seq.s32 s7, s2  }
0x1e: {  	s7 =	smul.u32 @!p0 $0xF7A, s2;
	p2 =	seq.s32 @!p0 s5, $0x0  }
0x1f: {  	s9 =	smul.u32 $0xF7A, s1;
	s8 =	simm.s32 @!p0 $0x1BF5;
	p2 =	por !p2, p0  }
0x20: {  	[sflag:s8] =	ssyncset.s32 @!p0 $0xFFFFF086;
	s6 =	sadd.s32 @!p0 s3, s7;
	s7 =	simm.s32 @!p0 $0x108  }
0x21: {  	s3 =	sadd.s32 s3, s9;
	s6 =	sadd.s32 @!p0 $0x88, s6;
	s7 =	simm.s32 @p2 $0x1082  }
0x22: {  	[simem:s7], [sflag:s8] =	dma.local @!p0 [hbm:s6], $0xF7A  }
0x23: {  	s9 =	sor.u32 $0xD0000000, s2;
	s6 =	simm.s32 $0x108;
	_ =	swait.ge @!p0 [sflag:s8], $0x0  }
0x24: {  	s3 =	sadd.s32 $0x88, s3;
	s6 =	simm.s32 @!p1 $0x1082;
	[sflag:s4] =	ssyncset.s32 $0xFFFFF086  }
0x25: {  	[simem:s6], [sflag:s4] =	dma.local [hbm:s3], $0xF7A  }
0x26: {  	[smem:$0x3F9B] =	sst s1;
	(tag) =	ssettag s2;
	_ =	strace s9  }
0x27: {  	s1 =	sld [smem:$0x3FAB]  }
0x28: {  	s2 =	sld [smem:$0x3FAC]  }
0x29: {  	s4 =	sld [smem:$0x3FAE]  }
0x2a: {  	p0 =	seq.s32 s5, $0x0;
	s5 =	sld [smem:$0x3FAF]  }
0x2b: {  	s6 =	sld [smem:$0x3FB0]  }
0x2c: {  	s7 =	sld [smem:$0x3FB1]  }
0x2d: {  	s3 =	simm.s32 $0x108;
	s8 =	sld [smem:$0x3FB2]  }
0x2e: {  	s3 =	simm.s32 @!p0 $0x1082;
	s9 =	sld [smem:$0x3FB3]  }
0x2f: {  	lr =	sadd.s32 s0, s3;
	s0 =	sld [smem:$0x3FAA]  }
0x30: {  	s3 =	sld [smem:$0x3FAD]  }
0x31: {  	[smem:$0x3FB6] =	sst s10  }
0x32: {  	s10 =	sld [smem:$0x3FB4];
	_ =	sdelay $0x3  }
0x33: {  	p0 =	seq.s32 s10, $0x1;
	s10 =	sld [smem:$0x3FB6];
	_ =	sdelay $0x3  }
0x34: {  	[smem:$0x3FB6] =	sst s10  }
0x35: {  	s10 =	sld [smem:$0x3FB5];
	_ =	sdelay $0x3  }
0x36: {  	p1 =	seq.s32 s10, $0x1;
	s10 =	sld [smem:$0x3FB6];
	_ =	sdelay $0x3  }
0x37: {  	[smem:$0x3FB6] =	sst s10  }
0x38: {  	s10 =	sld [smem:$0x3FB7]  }
0x39: {  	_ = 	snop;
	(pc) =	sbr.ind lr, $3  }
0x3a: {  	_ = 	snop  }
0x3b: {  	_ = 	snop  }
0x3c: {  	p2 =	seq.s32 s10, $0x1;
	s10 =	sld [smem:$0x3FB6]  }
0x3d: {  	_ =	shalt  }
0x3e: {  	_ =	shalt  }
0x3f: {  	_ =	shalt  }
0x40: {  	_ =	shalt  }
0x41: {  	_ =	shalt  }
0x42: {  	_ =	shalt  }
0x43: {  	_ =	shalt  }
0x44: {  	_ =	shalt  }
0x45: {  	_ =	shalt  }
0x46: {  	_ =	shalt  }
0x47: {  	_ =	shalt  }
0x48: {  	_ =	shalt  }
0x49: {  	_ =	shalt  }
0x4a: {  	_ =	shalt  }
0x4b: {  	_ =	shalt  }
0x4c: {  	_ =	shalt  }
0x4d: {  	_ =	shalt  }
0x4e: {  	_ =	shalt  }
0x4f: {  	_ =	shalt  }
0x50: {  	_ =	shalt  }
0x51: {  	_ =	shalt  }
0x52: {  	_ =	shalt  }
0x53: {  	_ =	shalt  }
0x54: {  	_ =	shalt  }
0x55: {  	_ =	shalt  }
0x56: {  	_ =	shalt  }
0x57: {  	_ =	shalt  }
0x58: {  	_ =	shalt  }
0x59: {  	_ =	shalt  }
0x5a: {  	_ =	shalt  }
0x5b: {  	_ =	shalt  }
0x5c: {  	_ =	shalt  }
0x5d: {  	_ =	shalt  }
0x5e: {  	_ =	shalt  }
0x5f: {  	_ =	shalt  }
0x60: {  	_ =	shalt  }
0x61: {  	_ =	shalt  }
0x62: {  	_ =	shalt  }
0x63: {  	_ =	shalt  }
0x64: {  	_ =	shalt  }
0x65: {  	_ =	shalt  }
0x66: {  	_ =	shalt  }
0x67: {  	_ =	shalt  }
0x68: {  	_ =	shalt  }
0x69: {  	_ =	shalt  }
0x6a: {  	_ =	shalt  }
0x6b: {  	_ =	shalt  }
0x6c: {  	_ =	shalt  }
0x6d: {  	_ =	shalt  }
0x6e: {  	_ =	shalt  }
0x6f: {  	_ =	shalt  }
0x70: {  	_ =	shalt  }
0x71: {  	_ =	shalt  }
0x72: {  	_ =	shalt  }
0x73: {  	_ =	shalt  }
0x74: {  	_ =	shalt  }
0x75: {  	_ =	shalt  }
0x76: {  	_ =	shalt  }
0x77: {  	_ =	shalt  }
0x78: {  	_ =	shalt  }
0x79: {  	_ =	shalt  }
0x7a: {  	_ =	shalt  }
0x7b: {  	_ =	shalt  }
0x7c: {  	_ =	shalt  }
0x7d: {  	_ =	shalt  }
0x7e: {  	_ =	shalt  }
0x7f: {  	_ =	shalt  }
0x80: {  	_ =	shalt  }
0x81: {  	_ =	shalt  }
0x82: {  	_ =	shalt  }
0x83: {  	_ =	shalt  }
0x84: {  	_ =	shalt  }
0x85: {  	_ =	shalt  }
0x86: {  	_ =	shalt  }
0x87: {  	_ =	shalt  }
.Lfunc_end0:
.L_simem_size_0:
called_computation_lowered:
.L_overlay_start_0:
0x88: {  	s2 =	sld [smem:$0x3FD9]  }
0x89: {  	s3 =	sld [smem:$0x3FFE];
	_ =	sdelay $0x1  }
0x8a: {  	s1 =	srdreg.scid  }
0x8b: {  	s0 =	sand.u32 $0x1, s1  }
0x8c: {  	s17 =	sshll.u32 s0, $0xA;
	s2 =	sadd.s32 s3, s2  }
0x8d: {  	s2 =	sadd.s32 s2, s17  }
0x8e: {  	[smem:$0x3FC2] =	sst s2  }
0x8f: {  	_ = 	snop  }
0x90: {  	s18 =	sld [smem:$0x3FC8];
	(tm) =	ssettm $0x1  }
0x91: {  	s19 =	sld [smem:$0x3FFB];
	_ =	sdelay $0x3  }
0x92: {  	_ =	strace s19  }
0x93: {  	s2 =	sld [smem:$0x3FFC];
	_ =	sdelay $0x3  }
0x94: {  	_ =	strace s2  }
0x95: {  	s2 =	sld [smem:$0x3FFD];
	_ =	sdelay $0x3  }
0x96: {  	_ =	strace s2  }
0x97: {  	_ =	strace $0x8FFFFFFF  }
0x98: {  	s20 =	sld [smem:$0x3FDB];
	_ =	sdelay $0x1  }
0x99: {  	s4 =	simm.s32 $_scs_section_size  }
0x9a: {  	s5 =	simm.s32 $_size__tile_overlayer_lowered;
	s6 =	simm.s32 $_tile_overlayer_lowered  }
0x9b: {  	s7 =	simm.s32 $0x1BFF;
	s21 =	sshll.u32 s6, $0x1;
	s4 =	sadd.s32 s4, s20  }
0x9c: {  	s22 =	simm.s32 $0x0;
	s5 =	sshll.u32 s5, $0x1;
	s6 =	sadd.s32 s21, s4  }
0x9d: {  	[timem:s22], [sflag:s7] =	dma.local [hbm:s6], s5  }
0x9e: {  	_ =	swait.ge [sflag:s7], s5  }
0x9f: {  	s5 =	ssub.s32 $0x0, s5;
	[sflag:s7] =	ssyncset.done $0x0  }
0xa0: {  	[sflag:s7] =	ssyncadd.s32 s5;
	_ =	sdelay $0x1  }
0xa1: {  	s23 =	simm.s32 $0x1B8B  }
0xa2: {  	_ =	swait.ge [sflag:s23], $0x1  }
0xa3: {  	[sflag:s23] =	ssyncset.done $0x0  }
0xa4: {  	[sflag:s23] =	ssyncadd.s32 $0xFFFFFFFF  }
0xa5: {  	s5 =	sld [smem:$0x0]  }
0xa6: {  	s6 =	sand.u32 $0xFFFFFFFE, s1  }
0xa7: {  	p0 =	sne.s32 s1, s6  }
0xa8: {  	s6 =	sshll.u32 @p0 s6, $0xE  }
0xa9: {  	s6 =	sadd.s32 @p0 $0x11B8D, s6;
	s7 =	sshll.u32 @p0 s5, $0x11  }
0xaa: {  	s6 =	sor.u32 @p0 s7, s6  }
0xab: {  	[sflag:s6] =	ssyncadd.remote.s32 @p0 $0x1;
	_ =	sdelay $0x1  }
0xac: {  	s6 =	simm.s32 @p0 $0x1B8D  }
0xad: {  	_ =	swait.eq @p0 [sflag:s6], $0x1  }
0xae: {  	[sflag:s6] =	ssyncadd.s32 @p0 $0xFFFFFFFF  }
0xaf: {  	s7 =	sshll.u32 @!p0 s1, $0xE  }
0xb0: {  	s7 =	sor.u32 @!p0 $0x4000, s7;
	s6 =	simm.s32 @!p0 $0x1B8D  }
0xb1: {  	s5 =	sshll.u32 @!p0 s5, $0x11;
	s7 =	sadd.s32 @!p0 $0x11B8D, s7;
	_ =	swait.eq @!p0 [sflag:s6], $0x1  }
0xb2: {  	s5 =	sor.u32 @!p0 s5, s7;
	[sflag:s6] =	ssyncadd.s32 @!p0 $0xFFFFFFFF  }
0xb3: {  	s25 =	simm.s32 $0x1B8E;
	s24 =	sld [smem:$0x3FFE];
	[sflag:s5] =	ssyncadd.remote.s32 @!p0 $0x1  }
0xb4: {  	s26 =	simm.s32 $execute0_lowered;
	[smem:$0x3FD2] =	sst s25  }
0xb5: {  	s6 =	sshll.u32 s26, $0x1;
	_ =	strace $0x80000049;
	[dreg:$0x1] =	wrdreg $0xFFFFFFFF  }
0xb6: {  	s28 =	simm.s32 $_size_execute0_lowered;
	s4 =	sadd.s32 s4, s6;
	[dreg:$0x0] =	wrdreg $0x0  }
0xb7: {  	s6 =	sshll.u32 s28, $0x1;
	[dreg:$0x2] =	wrdreg s4  }
0xb8: {  	[dreg:$0x3] =	wrdreg s6  }
0xb9: {  	[dreg:$0x4] =	wrdreg $0xC0  }
0xba: {  	_ =	task [dreg:s22], $0x5FFFF  }
0xbb: {  	[dreg:$0x1] =	wrdreg $0xFFFFFFFF  }
0xbc: {  	[dreg:$0x0] =	wrdreg $0x60  }
0xbd: {  	[dreg:$0x2] =	wrdreg s18  }
0xbe: {  	[dreg:$0x3] =	wrdreg s24  }
0xbf: {  	[dreg:$0x4] =	wrdreg $0x50000  }
0xc0: {  	[dreg:$0x5] =	wrdreg $0x9  }
0xc1: {  	_ =	task.clear_ibuf [dreg:s22], $0x6FFFF;
	_ =	strace $0x90000049  }
0xc2: {  	s29 =	simm.s32 $0x9;
	_ =	strace $0x8000004B  }
0xc3: {  	_ =	swait.ge [sflag:s29], $0x1  }
0xc4: {  	[sflag:s29] =	ssyncadd.s32 $0xFFFFFFFF  }
0xc5: {  	_ =	strace $0x9000004B  }
0xc6: {  	_ =	sfence  }
0xc7: {  	s30 =	sld [smem:$0x0];
	_ =	sdelay $0x2  }
0xc8: {  	s31 =	sshll.u32 s1, $0xD;
	s1 =	sshrl.u32 s1, $0x2  }
0xc9: {  	s4 =	sand.u32 $0x4000, s31;
	s1 =	sadd.s32 s1, s30  }
0xca: {  	s0 =	sor.u32 s4, s0;
	s1 =	sshll.u32 s1, $0x11  }
0xcb: {  	s0 =	sor.u32 s1, s0  }
0xcc: {  	s0 =	sadd.s32 $0x8F2B, s0  }
0xcd: {  	[sflag:s0] =	ssyncadd.remote.s32 $0x1  }
0xce: {  	_ =	sfence.sel $0xFFFF  }
0xcf: {  	[dreg:$0x0] =	wrdreg $0xFFFFFFFF;
	(pc) =	sbr.abs _section_cstart, $3  }
0xd0: {  	[dreg:$0x1] =	wrdreg $0xFFFFFFFF  }
0xd1: {  	_ =	task.clear_ibuf [dreg:s22], $0x2FFFF;
	_ =	strace $0x9FFFFFFF  }
0xd2: {  	(tm) =	ssettm $0x7FFFFFFF  }
0xd3: {  	_ =	shalt  }
tec
execute0_lowered:
.L_overlay_start_1:
0x0: {  	(tag) =	ssettag $0x1  }
0x1: {  	s2 =	rddreg [dreg:$0x0]  }
0x2: {  	s0 =	rddreg [dreg:$0x1]  }
0x3: {  	s3 =	rddreg [dreg:$0x2];
	s10 =	stileid.u32  }
0x4: {  	s1 =	srdreg.scid;
	s11 =	simm.s32 $0x0;
	s13 =	simm.s32 $0x9  }
0x5: {  	s15 =	simm.s32 $0x10;
	s16 =	simm.s32 $0x1000;
	s17 =	simm.s32 $0x1800  }
0x6: {  	s19 =	simm.s32 $0x2000;
	s21 =	simm.s32 $0x2800;
	s28 =	simm.s32 $0x2  }
0x7: {  	s29 =	simm.s32 $0x3;
	s30 =	simm.s32 $0x4;
	s31 =	simm.s32 $0x40  }
0x8: {  	s18 =	simm.s32 $0xF80;
	s4 =	smul.u32 $0x14000, s10;
	s1 =	sand.u32 $0x1, s1  }
0x9: {  	[smem:$0x7FF] =	sst s11;
	s5 =	sadd.s32 $0x8DC00, s0;
	s9 =	smul.u32 $0x50000, s10  }
0xa: {  	s6 =	sadd.s32 $0x1C00, s0;
	s25 =	sshll.u32 s10, $0x6;
	s7 =	smul.u32 $0x140000, s1  }
0xb: {  	_ =	strace $0x8000004A;
	s22 =	ssub.s32 $0x2, s1;
	s1 =	sshll.u32 s1, $0x4  }
0xc: {  	s8 =	sshrl.u32 s4, $0x3;
	s23 =	sshrl.u32 s22, $0x1;
	s1 =	sor.u32 s10, s1  }
0xd: {  	s24 =	sshrl.u32 s9, $0x2;
	s10 =	simm.s32 $0x8;
	s8 =	sadd.s32 s8, s0  }
0xe: {  	s4 =	sadd.s32 s4, s7;
	s7 =	sadd.s32 s24, s3;
	s9 =	smul.u32 $0x5000, s1  }
0xf: {  	s24 =	simm.s32 $0x4000;
	s1 =	simm.s32 $0x6;
	s4 =	sshrl.u32 s4, $0x3  }
0x10: {  	s8 =	sadd.s32 $0x15C00, s8;
	s12 =	sshrl.u32 s7, $0x3;
	s7 =	simm.s32 $0x7  }
0x11: {  	s0 =	sadd.s32 s4, s0;
	s4 =	ssub.s32 s22, s23;
	[dreg:$0x5] =	wrdreg s8  }
0x12: {  	s8 =	sor.u32 $0x1C09, s25;
	s22 =	simm.s32 $0x3000;
	[dreg:$0x9] =	wrdreg s12  }
0x13: {  	s23 =	simm.s32 $0x3800;
	s0 =	sadd.s32 $0xA1C00, s0;
	[dreg:$0x6] =	wrdreg s8  }
0x14: {  	s25 =	simm.s32 $0x4800;
	s26 =	smax.u32 s4, $0x1;
	[dreg:$0x7] =	wrdreg s0  }
0x15: {  	[dreg:$0x8] =	wrdreg s26;
	s26 =	simm.s32 $0x1;
	s0 =	simm.s32 $0x5  }
.LBB2_1:
0x16: {  	[dreg:$0x4] =	wrdreg s11  }
0x17: {  	s4 =	rddreg [dreg:$0x5]  }
0x18: {  	[spmem:s12], [sflag:s8] =	dma.local [hbm:s4], $0x2800  }
0x19: {  	_ =	swait.ge [sflag:s13], $0x2800  }
0x1a: {  	[sflag:s13] =	ssyncset.done $0x0  }
0x1b: {  	[sflag:s13] =	ssyncadd.s32 $0xFFFFD800  }
0x1c: {  	s20 =	simm.s32 $0x0;
	[bflag:$0x0] =	sbarrier.arrive $0xFFFF  }
.LBB2_2:
0x1d: {  	s4 =	sshll.u32 s20, $0xB  }
0x1e: {  	s4 =	sadd.s32 s9, s4  }
0x1f: {  	s4 =	sshrl.u32 s4, $0x3  }
0x20: {  	s11 =	simm.s32 $0x0;
	s8 =	sadd.s32 s5, s4  }
0x21: {  	[tilespmem:s11], [sflag:$0x9] =	stream.linear.gather [hbm4b:s8+s11], $0x800, $0x38;
	[tilespmem:$0x19000] =	vst v63  }
0x22: {  	_ =	swait.ge [sflag:s13], $0x800  }
0x23: {  	[sflag:s13] =	ssyncset.done $0x0  }
0x24: {  	s14 =	simm.s32 $0x800;
	s4 =	sadd.s32 s6, s4;
	[sflag:s13] =	ssyncadd.s32 $0xFFFFF800  }
0x25: {  	[tilespmem:s14], [sflag:$0x9] =	stream.linear.gather [hbm4b:s4+s11], $0x800, $0x38;
	[tilespmem:$0x19000] =	vst v63  }
0x26: {  	_ =	swait.ge [sflag:s13], $0x800  }
0x27: {  	[sflag:s13] =	ssyncset.done $0x0  }
0x28: {  	[sflag:s13] =	ssyncadd.s32 $0xFFFFF800  }
0x29: {  	[tilespmem:s16], [sflag:$0x1] =	stream.indirect.gather [hbm4b:s2+s15], $0x80, s11, s15, $0xb8;
	[tilespmem:$0x19000] =	vst v63  }
0x2a: {  	_ = 	snop  }
0x2b: {  	[tilespmem:s17], [sflag:$0x2] =	stream.indirect.gather [hbm4b:s2+s15], $0x80, s15, s15, $0xb8;
	[tilespmem:$0x19000] =	vst v63  }
0x2c: {  	s8 =	simm.s32 $0x20  }
0x2d: {  	[tilespmem:s19], [sflag:$0x3] =	stream.indirect.gather [hbm4b:s2+s15], $0x80, s8, s15, $0xb8;
	[tilespmem:$0x19000] =	vst v63  }
0x2e: {  	s11 =	simm.s32 $0x30  }
0x2f: {  	[tilespmem:s21], [sflag:$0x4] =	stream.indirect.gather [hbm4b:s2+s15], $0x80, s11, s15, $0xb8;
	[tilespmem:$0x19000] =	vst v63  }
0x30: {  	s12 =	simm.s32 $0x80  }
0x31: {  	[tilespmem:s22], [sflag:$0x5] =	stream.indirect.gather [hbm4b:s2+s15], $0x80, s12, s15, $0xb8;
	[tilespmem:$0x19000] =	vst v63  }
0x32: {  	s14 =	simm.s32 $0x90  }
0x33: {  	[tilespmem:s23], [sflag:$0x6] =	stream.indirect.gather [hbm4b:s2+s15], $0x80, s14, s15, $0xb8;
	[tilespmem:$0x19000] =	vst v63  }
0x34: {  	s8 =	simm.s32 $0xA0  }
0x35: {  	[tilespmem:s24], [sflag:$0x7] =	stream.indirect.gather [hbm4b:s2+s15], $0x80, s8, s15, $0xb8;
	[tilespmem:$0x19000] =	vst v63  }
0x36: {  	s11 =	simm.s32 $0xB0  }
0x37: {  	[tilespmem:s25], [sflag:$0x8] =	stream.indirect.gather [hbm4b:s2+s15], $0x80, s11, s15, $0xb8;
	[tilespmem:$0x19000] =	vst v63  }
0x38: {  	_ =	swait.ge [sflag:s26], $0x800  }
0x39: {  	[sflag:s26] =	ssyncset.done $0x0  }
0x3a: {  	[sflag:s26] =	ssyncadd.s32 $0xFFFFF800  }
0x3b: {  	_ =	swait.ge [sflag:s28], $0x800  }
0x3c: {  	[sflag:s28] =	ssyncset.done $0x0  }
0x3d: {  	[sflag:s28] =	ssyncadd.s32 $0xFFFFF800  }
0x3e: {  	_ =	swait.ge [sflag:s29], $0x800  }
0x3f: {  	[sflag:s29] =	ssyncset.done $0x0  }
0x40: {  	[sflag:s29] =	ssyncadd.s32 $0xFFFFF800  }
0x41: {  	_ =	swait.ge [sflag:s30], $0x800  }
0x42: {  	[sflag:s30] =	ssyncset.done $0x0  }
0x43: {  	s12 =	simm.s32 $0x800;
	[sflag:s30] =	ssyncadd.s32 $0xFFFFF800  }
0x44: {  	[spmem:s3] =	stream.indirect.scatter.add.f32 [tilespmem:s16], [sflag:$0x9], $0x80, s12, s31, $0xb8;
	[tilespmem:$0x19000] =	vst v63  }
0x45: {  	_ =	swait.ge [sflag:s13], $0x2000  }
0x46: {  	[sflag:s13] =	ssyncset.done $0x0  }
0x47: {  	s14 =	simm.s32 $0x100;
	[sflag:s13] =	ssyncadd.s32 $0xFFFFE000  }
0x48: {  	[tilespmem:s16], [sflag:$0x1] =	stream.indirect.gather [hbm4b:s2+s15], $0x80, s14, s15, $0xb8;
	[tilespmem:$0x19000] =	vst v63  }
0x49: {  	s8 =	simm.s32 $0x110  }
0x4a: {  	[tilespmem:s17], [sflag:$0x2] =	stream.indirect.gather [hbm4b:s2+s15], $0x80, s8, s15, $0xb8;
	[tilespmem:$0x19000] =	vst v63  }
0x4b: {  	s11 =	simm.s32 $0x120  }
0x4c: {  	[tilespmem:s19], [sflag:$0x3] =	stream.indirect.gather [hbm4b:s2+s15], $0x80, s11, s15, $0xb8;
	[tilespmem:$0x19000] =	vst v63  }
0x4d: {  	s12 =	simm.s32 $0x130  }
0x4e: {  	[tilespmem:s21], [sflag:$0x4] =	stream.indirect.gather [hbm4b:s2+s15], $0x80, s12, s15, $0xb8;
	[tilespmem:$0x19000] =	vst v63  }
0x4f: {  	_ =	swait.ge [sflag:s0], $0x800  }
0x50: {  	[sflag:s0] =	ssyncset.done $0x0  }
0x51: {  	[sflag:s0] =	ssyncadd.s32 $0xFFFFF800  }
0x52: {  	_ =	swait.ge [sflag:s1], $0x800  }
0x53: {  	[sflag:s1] =	ssyncset.done $0x0  }
0x54: {  	[sflag:s1] =	ssyncadd.s32 $0xFFFFF800  }
0x55: {  	_ =	swait.ge [sflag:s7], $0x800  }
0x56: {  	[sflag:s7] =	ssyncset.done $0x0  }
0x57: {  	[sflag:s7] =	ssyncadd.s32 $0xFFFFF800  }
0x58: {  	_ =	swait.ge [sflag:s10], $0x800  }
0x59: {  	[sflag:s10] =	ssyncset.done $0x0  }
0x5a: {  	s14 =	simm.s32 $0x880;
	[sflag:s10] =	ssyncadd.s32 $0xFFFFF800  }
0x5b: {  	[spmem:s3] =	stream.indirect.scatter.add.f32 [tilespmem:s22], [sflag:$0x9], $0x80, s14, s31, $0xb8;
	[tilespmem:$0x19000] =	vst v63  }
0x5c: {  	_ =	swait.ge [sflag:s13], $0x2000  }
0x5d: {  	s8 =	simm.s32 $0x800;
	s11 =	simm.s32 $0x100;
	[sflag:s13] =	ssyncset.done $0x0  }
.LBB2_3:
0x5e: {  	s14 =	sadd.s32 $0x80, s11  }
0x5f: {  	[sflag:s13] =	ssyncadd.s32 $0xFFFFE000;
	s12 =	smov.u32 s8;
	s4 =	sadd.s32 $0x400, s8  }
0x60: {  	[tilespmem:s22], [sflag:$0x5] =	stream.indirect.gather [hbm4b:s2+s15], $0x80, s14, s15, $0xb8;
	[tilespmem:$0x19000] =	vst v63  }
0x61: {  	p0 =	sne.s32 s8, $0x1800;
	s8 =	sadd.s32 $0x90, s11  }
0x62: {  	[tilespmem:s23], [sflag:$0x6] =	stream.indirect.gather [hbm4b:s2+s15], $0x80, s8, s15, $0xb8;
	[tilespmem:$0x19000] =	vst v63  }
0x63: {  	s8 =	sadd.s32 $0xA0, s11  }
0x64: {  	[tilespmem:s24], [sflag:$0x7] =	stream.indirect.gather [hbm4b:s2+s15], $0x80, s8, s15, $0xb8;
	[tilespmem:$0x19000] =	vst v63  }
0x65: {  	s8 =	sadd.s32 $0xB0, s11  }
0x66: {  	[tilespmem:s25], [sflag:$0x8] =	stream.indirect.gather [hbm4b:s2+s15], $0x80, s8, s15, $0xb8;
	[tilespmem:$0x19000] =	vst v63  }
0x67: {  	_ =	swait.ge [sflag:s26], $0x800  }
0x68: {  	[sflag:s26] =	ssyncset.done $0x0  }
0x69: {  	[sflag:s26] =	ssyncadd.s32 $0xFFFFF800  }
0x6a: {  	_ =	swait.ge [sflag:s28], $0x800  }
0x6b: {  	[sflag:s28] =	ssyncset.done $0x0  }
0x6c: {  	[sflag:s28] =	ssyncadd.s32 $0xFFFFF800  }
0x6d: {  	_ =	swait.ge [sflag:s29], $0x800  }
0x6e: {  	[sflag:s29] =	ssyncset.done $0x0  }
0x6f: {  	[sflag:s29] =	ssyncadd.s32 $0xFFFFF800  }
0x70: {  	_ =	swait.ge [sflag:s30], $0x800  }
0x71: {  	[sflag:s30] =	ssyncset.done $0x0  }
0x72: {  	s8 =	sadd.s32 $0x800, s11;
	[sflag:s30] =	ssyncadd.s32 $0xFFFFF800  }
0x73: {  	[spmem:s3] =	stream.indirect.scatter.add.f32 [tilespmem:s16], [sflag:$0x9], $0x80, s8, s31, $0xb8;
	[tilespmem:$0x19000] =	vst v63  }
0x74: {  	_ =	swait.ge [sflag:s13], $0x2000  }
0x75: {  	[sflag:s13] =	ssyncset.done $0x0  }
0x76: {  	s8 =	sadd.s32 $0x100, s11;
	[sflag:s13] =	ssyncadd.s32 $0xFFFFE000  }
0x77: {  	[tilespmem:s16], [sflag:$0x1] =	stream.indirect.gather [hbm4b:s2+s15], $0x80, s8, s15, $0xb8;
	[tilespmem:$0x19000] =	vst v63  }
0x78: {  	s8 =	sadd.s32 $0x110, s11  }
0x79: {  	[tilespmem:s17], [sflag:$0x2] =	stream.indirect.gather [hbm4b:s2+s15], $0x80, s8, s15, $0xb8;
	[tilespmem:$0x19000] =	vst v63  }
0x7a: {  	s8 =	sadd.s32 $0x120, s11  }
0x7b: {  	[tilespmem:s19], [sflag:$0x3] =	stream.indirect.gather [hbm4b:s2+s15], $0x80, s8, s15, $0xb8;
	[tilespmem:$0x19000] =	vst v63  }
0x7c: {  	s8 =	sadd.s32 $0x130, s11  }
0x7d: {  	[tilespmem:s21], [sflag:$0x4] =	stream.indirect.gather [hbm4b:s2+s15], $0x80, s8, s15, $0xb8;
	[tilespmem:$0x19000] =	vst v63  }
0x7e: {  	_ =	swait.ge [sflag:s0], $0x800  }
0x7f: {  	[sflag:s0] =	ssyncset.done $0x0  }
0x80: {  	[sflag:s0] =	ssyncadd.s32 $0xFFFFF800  }
0x81: {  	_ =	swait.ge [sflag:s1], $0x800  }
0x82: {  	[sflag:s1] =	ssyncset.done $0x0  }
0x83: {  	[sflag:s1] =	ssyncadd.s32 $0xFFFFF800  }
0x84: {  	_ =	swait.ge [sflag:s7], $0x800  }
0x85: {  	[sflag:s7] =	ssyncset.done $0x0  }
0x86: {  	[sflag:s7] =	ssyncadd.s32 $0xFFFFF800  }
0x87: {  	_ =	swait.ge [sflag:s10], $0x800  }
.Ltmp0:
0x88: {  	[sflag:s10] =	ssyncset.done $0x0;
	(pc) =	sbr.rel @p0 .LBB2_3-.Ltmp0, $4  }
0x89: {  	s8 =	sadd.s32 $0x880, s11;
	[sflag:s10] =	ssyncadd.s32 $0xFFFFF800  }
0x8a: {  	[spmem:s3] =	stream.indirect.scatter.add.f32 [tilespmem:s22], [sflag:$0x9], $0x80, s8, s31, $0xb8;
	[tilespmem:$0x19000] =	vst v63  }
0x8b: {  	_ =	swait.ge [sflag:s13], $0x2000  }
0x8c: {  	s11 =	sshra.s32 s12, $0x2;
	s8 =	smov.u32 s4;
	[sflag:s13] =	ssyncset.done $0x0  }
0x8d: {  	s4 =	sadd.s32 $0x80, s11;
	[sflag:s13] =	ssyncadd.s32 $0xFFFFE000  }
0x8e: {  	[tilespmem:s22], [sflag:$0x5] =	stream.indirect.gather [hbm4b:s2+s15], $0x80, s4, s15, $0xb8;
	[tilespmem:$0x19000] =	vst v63  }
0x8f: {  	s14 =	sadd.s32 $0x90, s11  }
0x90: {  	[tilespmem:s23], [sflag:$0x6] =	stream.indirect.gather [hbm4b:s2+s15], $0x80, s14, s15, $0xb8;
	[tilespmem:$0x19000] =	vst v63  }
0x91: {  	s8 =	sadd.s32 $0xA0, s11  }
0x92: {  	[tilespmem:s24], [sflag:$0x7] =	stream.indirect.gather [hbm4b:s2+s15], $0x80, s8, s15, $0xb8;
	[tilespmem:$0x19000] =	vst v63  }
0x93: {  	s12 =	sadd.s32 $0xB0, s11  }
0x94: {  	[tilespmem:s25], [sflag:$0x8] =	stream.indirect.gather [hbm4b:s2+s15], $0x80, s12, s15, $0xb8;
	[tilespmem:$0x19000] =	vst v63  }
0x95: {  	_ =	swait.ge [sflag:s26], $0x800  }
0x96: {  	[sflag:s26] =	ssyncset.done $0x0  }
0x97: {  	[sflag:s26] =	ssyncadd.s32 $0xFFFFF800  }
0x98: {  	_ =	swait.ge [sflag:s28], $0x800  }
0x99: {  	[sflag:s28] =	ssyncset.done $0x0  }
0x9a: {  	[sflag:s28] =	ssyncadd.s32 $0xFFFFF800  }
0x9b: {  	_ =	swait.ge [sflag:s29], $0x800  }
0x9c: {  	[sflag:s29] =	ssyncset.done $0x0  }
0x9d: {  	[sflag:s29] =	ssyncadd.s32 $0xFFFFF800  }
0x9e: {  	_ =	swait.ge [sflag:s30], $0x800  }
0x9f: {  	[sflag:s30] =	ssyncset.done $0x0  }
0xa0: {  	s14 =	sadd.s32 $0x800, s11;
	[sflag:s30] =	ssyncadd.s32 $0xFFFFF800  }
0xa1: {  	[spmem:s3] =	stream.indirect.scatter.add.f32 [tilespmem:s16], [sflag:$0x9], $0x80, s14, s31, $0xb8;
	[tilespmem:$0x19000] =	vst v63  }
0xa2: {  	_ =	swait.ge [sflag:s13], $0x2000  }
0xa3: {  	[sflag:s13] =	ssyncset.done $0x0  }
0xa4: {  	s8 =	sadd.s32 $0x100, s11;
	[sflag:s13] =	ssyncadd.s32 $0xFFFFE000  }
0xa5: {  	[tilespmem:s16], [sflag:$0x1] =	stream.indirect.gather [hbm4b:s2+s15], $0x80, s8, s15, $0xb8;
	[tilespmem:$0x19000] =	vst v63  }
0xa6: {  	s12 =	sadd.s32 $0x110, s11  }
0xa7: {  	[tilespmem:s17], [sflag:$0x2] =	stream.indirect.gather [hbm4b:s2+s15], $0x80, s12, s15, $0xb8;
	[tilespmem:$0x19000] =	vst v63  }
0xa8: {  	s14 =	sadd.s32 $0x120, s11  }
0xa9: {  	[tilespmem:s19], [sflag:$0x3] =	stream.indirect.gather [hbm4b:s2+s15], $0x80, s14, s15, $0xb8;
	[tilespmem:$0x19000] =	vst v63  }
0xaa: {  	s8 =	sadd.s32 $0x130, s11  }
0xab: {  	[tilespmem:s21], [sflag:$0x4] =	stream.indirect.gather [hbm4b:s2+s15], $0x80, s8, s15, $0xb8;
	[tilespmem:$0x19000] =	vst v63  }
0xac: {  	_ =	swait.ge [sflag:s0], $0x800  }
0xad: {  	[sflag:s0] =	ssyncset.done $0x0  }
0xae: {  	[sflag:s0] =	ssyncadd.s32 $0xFFFFF800  }
0xaf: {  	_ =	swait.ge [sflag:s1], $0x800  }
0xb0: {  	[sflag:s1] =	ssyncset.done $0x0  }
0xb1: {  	[sflag:s1] =	ssyncadd.s32 $0xFFFFF800  }
0xb2: {  	_ =	swait.ge [sflag:s7], $0x800  }
0xb3: {  	[sflag:s7] =	ssyncset.done $0x0  }
0xb4: {  	[sflag:s7] =	ssyncadd.s32 $0xFFFFF800  }
0xb5: {  	_ =	swait.ge [sflag:s10], $0x800  }
0xb6: {  	[sflag:s10] =	ssyncset.done $0x0  }
0xb7: {  	s12 =	sadd.s32 $0x880, s11;
	[sflag:s10] =	ssyncadd.s32 $0xFFFFF800  }
0xb8: {  	[spmem:s3] =	stream.indirect.scatter.add.f32 [tilespmem:s22], [sflag:$0x9], $0x80, s12, s31, $0xb8;
	[tilespmem:$0x19000] =	vst v63  }
0xb9: {  	_ =	swait.ge [sflag:s13], $0x2000  }
0xba: {  	[sflag:s13] =	ssyncset.done $0x0  }
0xbb: {  	s14 =	simm.s32 $0x780;
	[sflag:s13] =	ssyncadd.s32 $0xFFFFE000  }
0xbc: {  	[tilespmem:s22], [sflag:$0x5] =	stream.indirect.gather [hbm4b:s2+s15], $0x80, s14, s15, $0xb8;
	[tilespmem:$0x19000] =	vst v63  }
0xbd: {  	s8 =	simm.s32 $0x790  }
0xbe: {  	[tilespmem:s23], [sflag:$0x6] =	stream.indirect.gather [hbm4b:s2+s15], $0x80, s8, s15, $0xb8;
	[tilespmem:$0x19000] =	vst v63  }
0xbf: {  	s11 =	simm.s32 $0x7A0  }
0xc0: {  	[tilespmem:s24], [sflag:$0x7] =	stream.indirect.gather [hbm4b:s2+s15], $0x80, s11, s15, $0xb8;
	[tilespmem:$0x19000] =	vst v63  }
0xc1: {  	s12 =	simm.s32 $0x7B0  }
0xc2: {  	[tilespmem:s25], [sflag:$0x8] =	stream.indirect.gather [hbm4b:s2+s15], $0x80, s12, s15, $0xb8;
	[tilespmem:$0x19000] =	vst v63  }
0xc3: {  	_ =	swait.ge [sflag:s26], $0x800  }
0xc4: {  	[sflag:s26] =	ssyncset.done $0x0  }
0xc5: {  	[sflag:s26] =	ssyncadd.s32 $0xFFFFF800  }
0xc6: {  	_ =	swait.ge [sflag:s28], $0x800  }
0xc7: {  	[sflag:s28] =	ssyncset.done $0x0  }
0xc8: {  	[sflag:s28] =	ssyncadd.s32 $0xFFFFF800  }
0xc9: {  	_ =	swait.ge [sflag:s29], $0x800  }
0xca: {  	[sflag:s29] =	ssyncset.done $0x0  }
0xcb: {  	[sflag:s29] =	ssyncadd.s32 $0xFFFFF800  }
0xcc: {  	_ =	swait.ge [sflag:s30], $0x800  }
0xcd: {  	[sflag:s30] =	ssyncset.done $0x0  }
0xce: {  	s14 =	simm.s32 $0xF00;
	[sflag:s30] =	ssyncadd.s32 $0xFFFFF800  }
0xcf: {  	[spmem:s3] =	stream.indirect.scatter.add.f32 [tilespmem:s16], [sflag:$0x9], $0x80, s14, s31, $0xb8;
	[tilespmem:$0x19000] =	vst v63  }
0xd0: {  	_ =	swait.ge [sflag:s13], $0x2000  }
0xd1: {  	[sflag:s13] =	ssyncset.done $0x0  }
0xd2: {  	[sflag:s13] =	ssyncadd.s32 $0xFFFFE000  }
0xd3: {  	_ =	swait.ge [sflag:s0], $0x800  }
0xd4: {  	[sflag:s0] =	ssyncset.done $0x0  }
0xd5: {  	[sflag:s0] =	ssyncadd.s32 $0xFFFFF800  }
0xd6: {  	_ =	swait.ge [sflag:s1], $0x800  }
0xd7: {  	[sflag:s1] =	ssyncset.done $0x0  }
0xd8: {  	[sflag:s1] =	ssyncadd.s32 $0xFFFFF800  }
0xd9: {  	_ =	swait.ge [sflag:s7], $0x800  }
0xda: {  	[sflag:s7] =	ssyncset.done $0x0  }
0xdb: {  	[sflag:s7] =	ssyncadd.s32 $0xFFFFF800  }
0xdc: {  	s20 =	sadd.s32 $0x1, s20;
	_ =	swait.ge [sflag:s10], $0x800  }
0xdd: {  	p0 =	sne.s32 s20, $0xA;
	[sflag:s10] =	ssyncset.done $0x0  }
.Ltmp1:
0xde: {  	[sflag:s10] =	ssyncadd.s32 $0xFFFFF800;
	(pc) =	sbr.rel @p0 .LBB2_2-.Ltmp1, $4  }
0xdf: {  	[spmem:s3] =	stream.indirect.scatter.add.f32 [tilespmem:s22], [sflag:$0x9], $0x80, s18, s31, $0xb8;
	[tilespmem:$0x19000] =	vst v63  }
0xe0: {  	_ =	swait.ge [sflag:s13], $0x2000  }
0xe1: {  	[sflag:s13] =	ssyncset.done $0x0  }
0xe2: {  	[sflag:s13] =	ssyncadd.s32 $0xFFFFE000  }
0xe3: {  	[bflag:$0x0] =	sbarrier.arrive $0xFFFF  }
0xe4: {  	s8 =	rddreg [dreg:$0x6]  }
0xe5: {  	s4 =	rddreg [dreg:$0x7]  }
0xe6: {  	s12 =	rddreg [dreg:$0x9]  }
0xe7: {  	[hbm:s4], [sflag:s8] =	dma.local [spmem:s12], $0x2800  }
0xe8: {  	_ =	swait.ge [sflag:s13], $0x2800  }
0xe9: {  	s11 =	rddreg [dreg:$0x4]  }
0xea: {  	s20 =	rddreg [dreg:$0x8];
	s11 =	sadd.s32 $0x1, s11  }
0xeb: {  	p0 =	sne.s32 s11, s20  }
.Ltmp2:
0xec: {  	_ = 	snop;
	(pc) =	sbr.rel @p0 .LBB2_1-.Ltmp2, $3  }
0xed: {  	_ =	sdelay $0x1  }
0xee: {  	[sflag:s13] =	ssyncset.done $0x0  }
0xef: {  	[sflag:s13] =	ssyncadd.s32 $0xFFFFD800  }
0xf0: {  	_ =	sfence.sel $0x180000  }
0xf1: {  	[bflag:$0x0] =	sbarrier.arrive $0xFFFF  }
0xf2: {  	_ =	strace $0x9000004A  }
0xf3: {  	s0 =	stileid.u32;
	[bflag:$0x2] =	sbarrier.arrive $0xFFFF  }
0xf4: {  	p0 =	sne.s32 s0, $0x0;
	s0 =	rddreg [dreg:$0x3]  }
0xf5: {  	s0 =	sadd.s32 @!p0 $0x100000, s0  }
0xf6: {  	[sflag:s0] =	ssyncadd.tile.s32 @!p0 $0x1;
	_ =	shalt  }
.Lfunc_end2:
_tile_overlayer_lowered:
.L_overlay_start_2:
0xf7: {  	(tag) =	ssettag $0x2  }
0xf8: {  	s0 =	rddreg [dreg:$0x0];
	s2 =	stileid.u32  }
0xf9: {  	s1 =	rddreg [dreg:$0x1];
	p0 =	sne.s32 s2, $0x0  }
0xfa: {  	s3 =	rddreg [dreg:$0x2];
	[bflag:$0x3] =	sbarrier.arrive $0xFFFF;
	s2 =	simm.s32 @!p0 $0x1C09  }
0xfb: {  	[timem:s3], [sflag:s2] =	dma.local @!p0 [hbm:s0], s1  }
0xfc: {  	s0 =	simm.s32 @!p0 $0x9  }
0xfd: {  	_ =	swait.ge @!p0 [sflag:s0], s1  }
0xfe: {  	s1 =	ssub.s32 @!p0 $0x0, s1;
	[sflag:s0] =	ssyncset.done @!p0 $0x0  }
0xff: {  	[sflag:s0] =	ssyncadd.s32 @!p0 s1  }
0x100: {  	[bflag:$0x3] =	sbarrier.arrive $0xFFFF  }
0x101: {  	_ =	shalt  }

</sc_bundles>
